<compile_context>
chip_gen: v7x
topology: tpu7x:2x2x1
jax: 0.10.2.dev20260603
libtpu: 0.0.44.dev20260713+nightly
codegen_flags: <defaults>
</compile_context>

<pallas_src>
import functools

import jax
import jax.numpy as jnp
from jax import lax
from jax.experimental import pallas as pl
from jax.experimental.pallas import tpu as pltpu
from jax.experimental.pallas import tpu_sc as plsc

BATCH = 4096
HIST = 50
EMBED_DIM = 64

NC = 2
NS = 16
NW = NC * NS

BW = BATCH // NW


def _transpose_chunk(c, t):
    iota = lax.iota(jnp.int32, 16)
    q_vec = jnp.bitwise_and(iota, 7)
    s_half = jax.lax.shift_right_logical(iota, 3)
    s_vecs = [s_half + 2 * e16 for e16 in range(4)]

    @pl.loop(0, BW, step=2)
    def _(m):
        for mm in (m, m + 1):
            vals = [c[mm, pl.ds(16 * e16, 16)] for e16 in range(4)]
            mv = jnp.full((16,), mm, jnp.int32)
            for e16 in range(4):
                plsc.store_scatter(t, [s_vecs[e16], q_vec, mv], vals[e16])


def _gather_body(xt_hbm, table_hbm, out_hbm, idx_v, c0, c1, c2, c3, t0, t1,
                 g0, g1, g2, g3, s0, s1):
    cid = lax.axis_index("c")
    sid = lax.axis_index("s")
    wid = sid * NC + cid

    cs = [c0, c1, c2, c3]
    gs = [g0, g1, g2, g3]
    ts = [t0, t1]
    ss = [s0, s1]

    pltpu.sync_copy(xt_hbm.at[:, pl.ds(wid * BW, BW)], idx_v)

    for j in range(3):
        pltpu.async_copy(table_hbm.at[idx_v.at[j]], cs[j], gs[j])

    def sub(h, k, fire=True):
        hk = h + k
        c, gsem = cs[k % 4], gs[k % 4]
        t, ssem = ts[k % 2], ss[k % 2]
        pltpu.make_async_copy(table_hbm.at[idx_v.at[hk]], c, gsem).wait()

        if fire:

            @pl.when(hk + 3 < HIST)
            def _():
                cn = (k + 3) % 4
                pltpu.async_copy(table_hbm.at[idx_v.at[hk + 3]], cs[cn], gs[cn])

        @pl.when(hk >= 2)
        def _():
            pltpu.make_async_copy(
                t.at[:, :, :BW], out_hbm.at[pl.ds((hk - 2) * 8, 8), wid], ssem
            ).wait()

        _transpose_chunk(c, t)
        pltpu.async_copy(
            t.at[:, :, :BW], out_hbm.at[pl.ds(hk * 8, 8), wid], ssem
        )

    @pl.loop(0, HIST - 2, step=4)
    def _(h):
        for k in range(4):
            sub(h, k)

    sub(HIST - 2, 0, fire=False)
    sub(HIST - 2, 1, fire=False)
    for k, hk in ((0, HIST - 2), (1, HIST - 1)):
        pltpu.make_async_copy(
            ts[k].at[:, :, :BW], out_hbm.at[pl.ds(hk * 8, 8), wid], ss[k]
        ).wait()


@jax.jit
def _sc_gather(xt, table):
    mesh = plsc.VectorSubcoreMesh(core_axis_name="c", subcore_axis_name="s")
    f = functools.partial(
        pl.kernel,
        out_type=jax.ShapeDtypeStruct((HIST * 8, NW, 8, BW), jnp.float32),
        mesh=mesh,
        scratch_types=[
            pltpu.VMEM((HIST, BW), jnp.int32),
            pltpu.VMEM((BW, EMBED_DIM), jnp.float32),
            pltpu.VMEM((BW, EMBED_DIM), jnp.float32),
            pltpu.VMEM((BW, EMBED_DIM), jnp.float32),
            pltpu.VMEM((BW, EMBED_DIM), jnp.float32),
            pltpu.VMEM((8, 8, BW + 1), jnp.float32),
            pltpu.VMEM((8, 8, BW + 1), jnp.float32),
            pltpu.SemaphoreType.DMA,
            pltpu.SemaphoreType.DMA,
            pltpu.SemaphoreType.DMA,
            pltpu.SemaphoreType.DMA,
            pltpu.SemaphoreType.DMA,
            pltpu.SemaphoreType.DMA,
        ],
        compiler_params=pltpu.CompilerParams(
            use_tc_tiling_on_sc=False,
            needs_layout_passes=False,
            disable_bounds_checks=True,
        ),
    )(_gather_body)
    return f(xt, table)


def _mask_body(x_ref, o_ref):
    o_ref[...] = x_ref[...] >= 1


@jax.jit
def _tc_mask(x):
    return pl.pallas_call(
        _mask_body,
        out_shape=jax.ShapeDtypeStruct((BATCH, HIST), jnp.bool_),
    )(x)


def kernel(x, weight_matrix):
    l4 = _sc_gather(x.T, weight_matrix)
    embeds = (
        l4.reshape(HIST, 8, NW, 8, BW)
        .transpose(2, 4, 0, 1, 3)
        .reshape(BATCH, HIST, EMBED_DIM)
    )
    mask = _tc_mask(x)
    return embeds, mask

# --- scband reference (transcript-rebuilt; emitter-appended) ---
"""Pipeline reference for scband-embeds-47614007444017 (READ-ONLY COPY).

The authoritative reference and input builder live on the scoring server;
editing this copy changes nothing except your own understanding.
"""

import jax, jax.numpy as jnp
import numpy as np

VOCAB = 100000
EMBED_DIM = 64
BATCH = 4096
HIST = 50

def setup_inputs(seed: int = 0) -> dict:
    key = jax.random.key(seed)
    k1, k2 = jax.random.split(key)
    x = jax.random.randint(k1, (BATCH, HIST), 0, VOCAB, dtype=jnp.int64 if jax.config.jax_enable_x64 else jnp.int32).astype(jnp.int32)
    weight_matrix = jax.random.normal(k2, (VOCAB, EMBED_DIM), dtype=jnp.float32)
    return {"x": x, "weight_matrix": weight_matrix}

def reference(x, weight_matrix):
    # mask_1 = x.ge(0.1) -> for integer ids this is x >= 1 (nonzero / non-padding tokens)
    mask_1 = x >= 0.1
    # embeds = self.embedding(x) -> gather rows of the pretrained table
    embeds = jnp.take(weight_matrix, x, axis=0)
    return (embeds, mask_1)

if __name__ == "__main__":
    import jax
    _d = setup_inputs()
    print(jax.jit(kernel)(*tuple(_d.values())))

</pallas_src>

<mosaic_0001>
#map = affine_map<(d0, d1) -> (0, 0)>
#map1 = affine_map<(d0, d1) -> (0, 0, 0, 0)>
module attributes {stable_mosaic.version = 14 : i64} {
  func.func @_gather_body(%arg0: i32, %arg1: i32, %arg2: memref<50x4096xi32, #tpu.memory_space<hbm>>, %arg3: memref<100000x64xf32, #tpu.memory_space<hbm>>, %arg4: memref<400x32x8x128xf32, #tpu.memory_space<hbm>>, %arg5: memref<50x128xi32, #tpu.memory_space<vmem>>, %arg6: memref<128x64xf32, #tpu.memory_space<vmem>>, %arg7: memref<128x64xf32, #tpu.memory_space<vmem>>, %arg8: memref<128x64xf32, #tpu.memory_space<vmem>>, %arg9: memref<128x64xf32, #tpu.memory_space<vmem>>, %arg10: memref<8x8x129xf32, #tpu.memory_space<vmem>>, %arg11: memref<8x8x129xf32, #tpu.memory_space<vmem>>, %arg12: memref<!tpu.dma_semaphore, #tpu.memory_space<semaphore_mem>>, %arg13: memref<!tpu.dma_semaphore, #tpu.memory_space<semaphore_mem>>, %arg14: memref<!tpu.dma_semaphore, #tpu.memory_space<semaphore_mem>>, %arg15: memref<!tpu.dma_semaphore, #tpu.memory_space<semaphore_mem>>, %arg16: memref<!tpu.dma_semaphore, #tpu.memory_space<semaphore_mem>>, %arg17: memref<!tpu.dma_semaphore, #tpu.memory_space<semaphore_mem>>) attributes {dimension_semantics = [#tpu.dimension_semantics<core_parallel>, #tpu.dimension_semantics<subcore_parallel>], iteration_bounds = array<i64: 2, 16>, scalar_prefetch = 0 : i64, scratch_operands = 13 : i64, tpu.core_type = #tpu.core_type<sc_vector_subcore>, window_params = [{transform_indices = #map}, {transform_indices = #map}, {transform_indices = #map1}]} {
    %mul3A = arith.constant 2 : i32
    %mul3A_0 = arith.muli %arg1, %mul3A : i32
    %add3A = arith.addi %mul3A_0, %arg0 : i32
    %mul3A_1 = arith.constant 128 : i32
    %mul3A_2 = arith.muli %add3A, %mul3A_1 : i32
    "tpu.region"() ({
      %run_scoped3A = tpu.sem_alloc : memref<!tpu.dma_semaphore, #tpu.memory_space<semaphore_mem>>
      %dma_start3A_193 = arith.constant 0 : i32
      %dma_start3A_194 = tpu.memref_slice %arg2[%dma_start3A_193, %mul3A_2] : memref<50x4096xi32, #tpu.memory_space<hbm>> -> memref<50x128xi32, #tpu.memory_space<hbm>>
      %dma_start3A_195 = arith.constant 0 : i32
      %dma_start3A_196 = tpu.memref_slice %arg2[%dma_start3A_195, %mul3A_2] : memref<50x4096xi32, #tpu.memory_space<hbm>> -> memref<50x128xi32, #tpu.memory_space<hbm>>
      tpu.enqueue_dma source(%dma_start3A_196 : memref<50x128xi32, #tpu.memory_space<hbm>>) target(%arg5 : memref<50x128xi32, #tpu.memory_space<vmem>>) target_semaphore(%run_scoped3A : memref<!tpu.dma_semaphore, #tpu.memory_space<semaphore_mem>>)
      %dma_wait3A_197 = arith.constant 0 : i32
      %dma_wait3A_198 = tpu.memref_slice %arg2[%dma_wait3A_197, %mul3A_2] : memref<50x4096xi32, #tpu.memory_space<hbm>> -> memref<50x128xi32, #tpu.memory_space<hbm>>
      %dma_wait3A_199 = arith.constant 0 : i32
      %dma_wait3A_200 = tpu.memref_slice %arg2[%dma_wait3A_199, %mul3A_2] : memref<50x4096xi32, #tpu.memory_space<hbm>> -> memref<50x128xi32, #tpu.memory_space<hbm>>
      tpu.wait_dma2 semaphore(%run_scoped3A : memref<!tpu.dma_semaphore, #tpu.memory_space<semaphore_mem>>) src(%dma_wait3A_200 : memref<50x128xi32, #tpu.memory_space<hbm>>) dst(%arg5 : memref<50x128xi32, #tpu.memory_space<vmem>>)
      tpu.yield
    }) : () -> ()
    %dma_start3A = arith.constant 0 : i32
    %dma_start3A_3 = arith.constant 0 : i32
    %dma_start3A_4 = tpu.memref_slice %arg5[%dma_start3A, %dma_start3A_3] : memref<50x128xi32, #tpu.memory_space<vmem>> -> memref<1x128xi32, #tpu.memory_space<vmem>>
    %dma_start3A_5 = tpu.memref_squeeze %dma_start3A_4 : memref<1x128xi32, #tpu.memory_space<vmem>> -> memref<128xi32, #tpu.memory_space<vmem>>
    %dma_start3A_6 = arith.constant 0 : i32
    %dma_start3A_7 = arith.constant 0 : i32
    %dma_start3A_8 = tpu.memref_slice %arg3[%dma_start3A_6, %dma_start3A_7] : memref<100000x64xf32, #tpu.memory_space<hbm>> -> memref<100000x64xf32, #tpu.memory_space<hbm>>
    tpu.enqueue_indirect_dma source(%dma_start3A_8 : memref<100000x64xf32, #tpu.memory_space<hbm>>) target(%arg6 : memref<128x64xf32, #tpu.memory_space<vmem>>) offsets(%dma_start3A_5 : memref<128xi32, #tpu.memory_space<vmem>>) semaphore(%arg12 : memref<!tpu.dma_semaphore, #tpu.memory_space<semaphore_mem>>)
    %dma_start3A_9 = arith.constant 1 : i32
    %dma_start3A_10 = arith.constant 0 : i32
    %dma_start3A_11 = tpu.memref_slice %arg5[%dma_start3A_9, %dma_start3A_10] : memref<50x128xi32, #tpu.memory_space<vmem>> -> memref<1x128xi32, #tpu.memory_space<vmem>>
    %dma_start3A_12 = tpu.memref_squeeze %dma_start3A_11 : memref<1x128xi32, #tpu.memory_space<vmem>> -> memref<128xi32, #tpu.memory_space<vmem>>
    %dma_start3A_13 = arith.constant 0 : i32
    %dma_start3A_14 = arith.constant 0 : i32
    %dma_start3A_15 = tpu.memref_slice %arg3[%dma_start3A_13, %dma_start3A_14] : memref<100000x64xf32, #tpu.memory_space<hbm>> -> memref<100000x64xf32, #tpu.memory_space<hbm>>
    tpu.enqueue_indirect_dma source(%dma_start3A_15 : memref<100000x64xf32, #tpu.memory_space<hbm>>) target(%arg7 : memref<128x64xf32, #tpu.memory_space<vmem>>) offsets(%dma_start3A_12 : memref<128xi32, #tpu.memory_space<vmem>>) semaphore(%arg13 : memref<!tpu.dma_semaphore, #tpu.memory_space<semaphore_mem>>)
    %dma_start3A_16 = arith.constant 2 : i32
    %dma_start3A_17 = arith.constant 0 : i32
    %dma_start3A_18 = tpu.memref_slice %arg5[%dma_start3A_16, %dma_start3A_17] : memref<50x128xi32, #tpu.memory_space<vmem>> -> memref<1x128xi32, #tpu.memory_space<vmem>>
    %dma_start3A_19 = tpu.memref_squeeze %dma_start3A_18 : memref<1x128xi32, #tpu.memory_space<vmem>> -> memref<128xi32, #tpu.memory_space<vmem>>
    %dma_start3A_20 = arith.constant 0 : i32
    %dma_start3A_21 = arith.constant 0 : i32
    %dma_start3A_22 = tpu.memref_slice %arg3[%dma_start3A_20, %dma_start3A_21] : memref<100000x64xf32, #tpu.memory_space<hbm>> -> memref<100000x64xf32, #tpu.memory_space<hbm>>
    tpu.enqueue_indirect_dma source(%dma_start3A_22 : memref<100000x64xf32, #tpu.memory_space<hbm>>) target(%arg8 : memref<128x64xf32, #tpu.memory_space<vmem>>) offsets(%dma_start3A_19 : memref<128xi32, #tpu.memory_space<vmem>>) semaphore(%arg14 : memref<!tpu.dma_semaphore, #tpu.memory_space<semaphore_mem>>)
    %scan3A = arith.constant 0 : i32
    %scan3A_23 = arith.constant 12 : i32
    %scan3A_24 = arith.addi %scan3A, %scan3A_23 : i32
    %scan3A_25 = arith.constant 1 : i32
    scf.for %scan3A_193 = %scan3A to %scan3A_24 step %scan3A_25  : i32 {
      %mul3A_194 = arith.constant 4 : i32
      %mul3A_195 = arith.muli %scan3A_193, %mul3A_194 : i32
      %add3A_196 = arith.constant 0 : i32
      %add3A_197 = arith.addi %add3A_196, %mul3A_195 : i32
      %add3A_198 = arith.constant 0 : i32
      %add3A_199 = arith.addi %add3A_197, %add3A_198 : i32
      %dma_wait3A_200 = arith.constant 0 : i32
      %dma_wait3A_201 = tpu.memref_slice %arg5[%add3A_199, %dma_wait3A_200] : memref<50x128xi32, #tpu.memory_space<vmem>> -> memref<1x128xi32, #tpu.memory_space<vmem>>
      %dma_wait3A_202 = tpu.memref_squeeze %dma_wait3A_201 : memref<1x128xi32, #tpu.memory_space<vmem>> -> memref<128xi32, #tpu.memory_space<vmem>>
      %dma_wait3A_203 = arith.constant 0 : i32
      %dma_wait3A_204 = arith.constant 0 : i32
      %dma_wait3A_205 = tpu.memref_slice %arg3[%dma_wait3A_203, %dma_wait3A_204] : memref<100000x64xf32, #tpu.memory_space<hbm>> -> memref<100000x64xf32, #tpu.memory_space<hbm>>
      tpu.wait_indirect_dma semaphore(%arg12 : memref<!tpu.dma_semaphore, #tpu.memory_space<semaphore_mem>>) src(%dma_wait3A_205 : memref<100000x64xf32, #tpu.memory_space<hbm>>) dst(%arg6 : memref<128x64xf32, #tpu.memory_space<vmem>>)
      %add3A_206 = arith.constant 3 : i32
      %add3A_207 = arith.addi %add3A_199, %add3A_206 : i32
      %lt3A = arith.constant 50 : i32
      %lt3A_208 = arith.cmpi slt, %add3A_207, %lt3A : i32
      %convert_element_type3A = arith.extui %lt3A_208 : i1 to i32
      %cond3A = arith.constant 0 : i32
      %cond3A_209 = arith.cmpi ne, %convert_element_type3A, %cond3A : i32
      scf.if %cond3A_209 {
        %add3A_442 = arith.constant 3 : i32
        %add3A_443 = arith.addi %add3A_199, %add3A_442 : i32
        %dma_start3A_444 = arith.constant 0 : i32
        %dma_start3A_445 = tpu.memref_slice %arg5[%add3A_443, %dma_start3A_444] : memref<50x128xi32, #tpu.memory_space<vmem>> -> memref<1x128xi32, #tpu.memory_space<vmem>>
        %dma_start3A_446 = tpu.memref_squeeze %dma_start3A_445 : memref<1x128xi32, #tpu.memory_space<vmem>> -> memref<128xi32, #tpu.memory_space<vmem>>
        %dma_start3A_447 = arith.constant 0 : i32
        %dma_start3A_448 = arith.constant 0 : i32
        %dma_start3A_449 = tpu.memref_slice %arg3[%dma_start3A_447, %dma_start3A_448] : memref<100000x64xf32, #tpu.memory_space<hbm>> -> memref<100000x64xf32, #tpu.memory_space<hbm>>
        tpu.enqueue_indirect_dma source(%dma_start3A_449 : memref<100000x64xf32, #tpu.memory_space<hbm>>) target(%arg9 : memref<128x64xf32, #tpu.memory_space<vmem>>) offsets(%dma_start3A_446 : memref<128xi32, #tpu.memory_space<vmem>>) semaphore(%arg15 : memref<!tpu.dma_semaphore, #tpu.memory_space<semaphore_mem>>)
      } else {
      }
      %ge3A = arith.constant 2 : i32
      %ge3A_210 = arith.cmpi sge, %add3A_199, %ge3A : i32
      %convert_element_type3A_211 = arith.extui %ge3A_210 : i1 to i32
      %cond3A_212 = arith.constant 0 : i32
      %cond3A_213 = arith.cmpi ne, %convert_element_type3A_211, %cond3A_212 : i32
      scf.if %cond3A_213 {
        %sub3A = arith.constant 2 : i32
        %sub3A_442 = arith.subi %add3A_199, %sub3A : i32
        %mul3A_443 = arith.constant 8 : i32
        %mul3A_444 = arith.muli %sub3A_442, %mul3A_443 : i32
        %dma_wait3A_445 = arith.constant 0 : i32
        %dma_wait3A_446 = arith.constant 0 : i32
        %dma_wait3A_447 = arith.constant 0 : i32
        %dma_wait3A_448 = tpu.memref_slice %arg10[%dma_wait3A_445, %dma_wait3A_446, %dma_wait3A_447] : memref<8x8x129xf32, #tpu.memory_space<vmem>> -> memref<8x8x128xf32, #tpu.memory_space<vmem>>
        %dma_wait3A_449 = arith.constant 0 : i32
        %dma_wait3A_450 = arith.constant 0 : i32
        %dma_wait3A_451 = tpu.memref_slice %arg4[%mul3A_444, %add3A, %dma_wait3A_449, %dma_wait3A_450] : memref<400x32x8x128xf32, #tpu.memory_space<hbm>> -> memref<8x1x8x128xf32, #tpu.memory_space<hbm>>
        %dma_wait3A_452 = tpu.memref_squeeze %dma_wait3A_451 : memref<8x1x8x128xf32, #tpu.memory_space<hbm>> -> memref<8x8x128xf32, #tpu.memory_space<hbm>>
        %dma_wait3A_453 = arith.constant 0 : i32
        %dma_wait3A_454 = arith.constant 0 : i32
        %dma_wait3A_455 = tpu.memref_slice %arg4[%mul3A_444, %add3A, %dma_wait3A_453, %dma_wait3A_454] : memref<400x32x8x128xf32, #tpu.memory_space<hbm>> -> memref<8x1x8x128xf32, #tpu.memory_space<hbm>>
        %dma_wait3A_456 = tpu.memref_squeeze %dma_wait3A_455 : memref<8x1x8x128xf32, #tpu.memory_space<hbm>> -> memref<8x8x128xf32, #tpu.memory_space<hbm>>
        %dma_wait3A_457 = arith.constant 0 : i32
        %dma_wait3A_458 = arith.constant 0 : i32
        %dma_wait3A_459 = arith.constant 0 : i32
        %dma_wait3A_460 = tpu.memref_slice %arg10[%dma_wait3A_457, %dma_wait3A_458, %dma_wait3A_459] : memref<8x8x129xf32, #tpu.memory_space<vmem>> -> memref<8x8x128xf32, #tpu.memory_space<vmem>>
        tpu.wait_dma2 semaphore(%arg16 : memref<!tpu.dma_semaphore, #tpu.memory_space<semaphore_mem>>) src(%dma_wait3A_460 : memref<8x8x128xf32, #tpu.memory_space<vmem>>) dst(%dma_wait3A_456 : memref<8x8x128xf32, #tpu.memory_space<hbm>>)
      } else {
      }
      %iota3A_214 = tpu.iota {dimensions = array<i32: 0>} : vector<16xi32>
      %and3A_215 = arith.constant 7 : i32
      %and3A_216 = vector.broadcast %and3A_215 : i32 to vector<16xi32>
      %and3A_217 = arith.andi %iota3A_214, %and3A_216 : vector<16xi32>
      %shift_right_logical3A_218 = arith.constant 3 : i32
      %shift_right_logical3A_219 = vector.broadcast %shift_right_logical3A_218 : i32 to vector<16xi32>
      %shift_right_logical3A_220 = arith.shrui %iota3A_214, %shift_right_logical3A_219 : vector<16xi32>
      %add3A_221 = arith.constant 0 : i32
      %add3A_222 = vector.broadcast %add3A_221 : i32 to vector<16xi32>
      %add3A_223 = arith.addi %shift_right_logical3A_220, %add3A_222 : vector<16xi32>
      %add3A_224 = arith.constant 2 : i32
      %add3A_225 = vector.broadcast %add3A_224 : i32 to vector<16xi32>
      %add3A_226 = arith.addi %shift_right_logical3A_220, %add3A_225 : vector<16xi32>
      %add3A_227 = arith.constant 4 : i32
      %add3A_228 = vector.broadcast %add3A_227 : i32 to vector<16xi32>
      %add3A_229 = arith.addi %shift_right_logical3A_220, %add3A_228 : vector<16xi32>
      %add3A_230 = arith.constant 6 : i32
      %add3A_231 = vector.broadcast %add3A_230 : i32 to vector<16xi32>
      %add3A_232 = arith.addi %shift_right_logical3A_220, %add3A_231 : vector<16xi32>
      %scan3A_233 = arith.constant 0 : i32
      %scan3A_234 = arith.constant 64 : i32
      %scan3A_235 = arith.addi %scan3A_233, %scan3A_234 : i32
      %scan3A_236 = arith.constant 1 : i32
      scf.for %scan3A_442 = %scan3A_233 to %scan3A_235 step %scan3A_236  : i32 {
        %mul3A_443 = arith.constant 2 : i32
        %mul3A_444 = arith.muli %scan3A_442, %mul3A_443 : i32
        %add3A_445 = arith.constant 0 : i32
        %add3A_446 = arith.addi %add3A_445, %mul3A_444 : i32
        %add3A_447 = arith.constant 1 : i32
        %add3A_448 = arith.addi %add3A_446, %add3A_447 : i32
        %get3A = arith.index_cast %add3A_446 : i32 to index
        %get3A_449 = arith.constant 0 : index
        %get3A_450 = tpu.vector_load %arg6[%get3A, %get3A_449] {strides = array<i32>} : memref<128x64xf32, #tpu.memory_space<vmem>>, vector<16xf32>,
        %get3A_451 = arith.index_cast %add3A_446 : i32 to index
        %get3A_452 = arith.constant 16 : index
        %get3A_453 = tpu.vector_load %arg6[%get3A_451, %get3A_452] {strides = array<i32>} : memref<128x64xf32, #tpu.memory_space<vmem>>, vector<16xf32>,
        %get3A_454 = arith.index_cast %add3A_446 : i32 to index
        %get3A_455 = arith.constant 32 : index
        %get3A_456 = tpu.vector_load %arg6[%get3A_454, %get3A_455] {strides = array<i32>} : memref<128x64xf32, #tpu.memory_space<vmem>>, vector<16xf32>,
        %get3A_457 = arith.index_cast %add3A_446 : i32 to index
        %get3A_458 = arith.constant 48 : index
        %get3A_459 = tpu.vector_load %arg6[%get3A_457, %get3A_458] {strides = array<i32>} : memref<128x64xf32, #tpu.memory_space<vmem>>, vector<16xf32>,
        %broadcast_in_dim3A = vector.broadcast %add3A_446 : i32 to vector<16xi32>
        tpu.vector_store_idx %arg10[%add3A_223, %and3A_217, %broadcast_in_dim3A], %get3A_450 : memref<8x8x129xf32, #tpu.memory_space<vmem>>[vector<16xi32>, vector<16xi32>, vector<16xi32>], vector<16xf32>,
        tpu.vector_store_idx %arg10[%add3A_226, %and3A_217, %broadcast_in_dim3A], %get3A_453 : memref<8x8x129xf32, #tpu.memory_space<vmem>>[vector<16xi32>, vector<16xi32>, vector<16xi32>], vector<16xf32>,
        tpu.vector_store_idx %arg10[%add3A_229, %and3A_217, %broadcast_in_dim3A], %get3A_456 : memref<8x8x129xf32, #tpu.memory_space<vmem>>[vector<16xi32>, vector<16xi32>, vector<16xi32>], vector<16xf32>,
        tpu.vector_store_idx %arg10[%add3A_232, %and3A_217, %broadcast_in_dim3A], %get3A_459 : memref<8x8x129xf32, #tpu.memory_space<vmem>>[vector<16xi32>, vector<16xi32>, vector<16xi32>], vector<16xf32>,
        %get3A_460 = arith.index_cast %add3A_448 : i32 to index
        %get3A_461 = arith.constant 0 : index
        %get3A_462 = tpu.vector_load %arg6[%get3A_460, %get3A_461] {strides = array<i32>} : memref<128x64xf32, #tpu.memory_space<vmem>>, vector<16xf32>,
        %get3A_463 = arith.index_cast %add3A_448 : i32 to index
        %get3A_464 = arith.constant 16 : index
        %get3A_465 = tpu.vector_load %arg6[%get3A_463, %get3A_464] {strides = array<i32>} : memref<128x64xf32, #tpu.memory_space<vmem>>, vector<16xf32>,
        %get3A_466 = arith.index_cast %add3A_448 : i32 to index
        %get3A_467 = arith.constant 32 : index
        %get3A_468 = tpu.vector_load %arg6[%get3A_466, %get3A_467] {strides = array<i32>} : memref<128x64xf32, #tpu.memory_space<vmem>>, vector<16xf32>,
        %get3A_469 = arith.index_cast %add3A_448 : i32 to index
        %get3A_470 = arith.constant 48 : index
        %get3A_471 = tpu.vector_load %arg6[%get3A_469, %get3A_470] {strides = array<i32>} : memref<128x64xf32, #tpu.memory_space<vmem>>, vector<16xf32>,
        %broadcast_in_dim3A_472 = vector.broadcast %add3A_448 : i32 to vector<16xi32>
        tpu.vector_store_idx %arg10[%add3A_223, %and3A_217, %broadcast_in_dim3A_472], %get3A_462 : memref<8x8x129xf32, #tpu.memory_space<vmem>>[vector<16xi32>, vector<16xi32>, vector<16xi32>], vector<16xf32>,
        tpu.vector_store_idx %arg10[%add3A_226, %and3A_217, %broadcast_in_dim3A_472], %get3A_465 : memref<8x8x129xf32, #tpu.memory_space<vmem>>[vector<16xi32>, vector<16xi32>, vector<16xi32>], vector<16xf32>,
        tpu.vector_store_idx %arg10[%add3A_229, %and3A_217, %broadcast_in_dim3A_472], %get3A_468 : memref<8x8x129xf32, #tpu.memory_space<vmem>>[vector<16xi32>, vector<16xi32>, vector<16xi32>], vector<16xf32>,
        tpu.vector_store_idx %arg10[%add3A_232, %and3A_217, %broadcast_in_dim3A_472], %get3A_471 : memref<8x8x129xf32, #tpu.memory_space<vmem>>[vector<16xi32>, vector<16xi32>, vector<16xi32>], vector<16xf32>,
      }
      %scan3A_237 = arith.constant 64 : i32
      %mul3A_238 = arith.constant 8 : i32
      %mul3A_239 = arith.muli %add3A_199, %mul3A_238 : i32
      %dma_start3A_240 = arith.constant 0 : i32
      %dma_start3A_241 = arith.constant 0 : i32
      %dma_start3A_242 = arith.constant 0 : i32
      %dma_start3A_243 = tpu.memref_slice %arg10[%dma_start3A_240, %dma_start3A_241, %dma_start3A_242] : memref<8x8x129xf32, #tpu.memory_space<vmem>> -> memref<8x8x128xf32, #tpu.memory_space<vmem>>
      %dma_start3A_244 = arith.constant 0 : i32
      %dma_start3A_245 = arith.constant 0 : i32
      %dma_start3A_246 = tpu.memref_slice %arg4[%mul3A_239, %add3A, %dma_start3A_244, %dma_start3A_245] : memref<400x32x8x128xf32, #tpu.memory_space<hbm>> -> memref<8x1x8x128xf32, #tpu.memory_space<hbm>>
      %dma_start3A_247 = tpu.memref_squeeze %dma_start3A_246 : memref<8x1x8x128xf32, #tpu.memory_space<hbm>> -> memref<8x8x128xf32, #tpu.memory_space<hbm>>
      %dma_start3A_248 = arith.constant 0 : i32
      %dma_start3A_249 = arith.constant 0 : i32
      %dma_start3A_250 = tpu.memref_slice %arg4[%mul3A_239, %add3A, %dma_start3A_248, %dma_start3A_249] : memref<400x32x8x128xf32, #tpu.memory_space<hbm>> -> memref<8x1x8x128xf32, #tpu.memory_space<hbm>>
      %dma_start3A_251 = tpu.memref_squeeze %dma_start3A_250 : memref<8x1x8x128xf32, #tpu.memory_space<hbm>> -> memref<8x8x128xf32, #tpu.memory_space<hbm>>
      %dma_start3A_252 = arith.constant 0 : i32
      %dma_start3A_253 = arith.constant 0 : i32
      %dma_start3A_254 = arith.constant 0 : i32
      %dma_start3A_255 = tpu.memref_slice %arg10[%dma_start3A_252, %dma_start3A_253, %dma_start3A_254] : memref<8x8x129xf32, #tpu.memory_space<vmem>> -> memref<8x8x128xf32, #tpu.memory_space<vmem>>
      tpu.enqueue_dma source(%dma_start3A_255 : memref<8x8x128xf32, #tpu.memory_space<vmem>>) target(%dma_start3A_251 : memref<8x8x128xf32, #tpu.memory_space<hbm>>) target_semaphore(%arg16 : memref<!tpu.dma_semaphore, #tpu.memory_space<semaphore_mem>>)
      %add3A_256 = arith.constant 1 : i32
      %add3A_257 = arith.addi %add3A_197, %add3A_256 : i32
      %dma_wait3A_258 = arith.constant 0 : i32
      %dma_wait3A_259 = tpu.memref_slice %arg5[%add3A_257, %dma_wait3A_258] : memref<50x128xi32, #tpu.memory_space<vmem>> -> memref<1x128xi32, #tpu.memory_space<vmem>>
      %dma_wait3A_260 = tpu.memref_squeeze %dma_wait3A_259 : memref<1x128xi32, #tpu.memory_space<vmem>> -> memref<128xi32, #tpu.memory_space<vmem>>
      %dma_wait3A_261 = arith.constant 0 : i32
      %dma_wait3A_262 = arith.constant 0 : i32
      %dma_wait3A_263 = tpu.memref_slice %arg3[%dma_wait3A_261, %dma_wait3A_262] : memref<100000x64xf32, #tpu.memory_space<hbm>> -> memref<100000x64xf32, #tpu.memory_space<hbm>>
      tpu.wait_indirect_dma semaphore(%arg13 : memref<!tpu.dma_semaphore, #tpu.memory_space<semaphore_mem>>) src(%dma_wait3A_263 : memref<100000x64xf32, #tpu.memory_space<hbm>>) dst(%arg7 : memref<128x64xf32, #tpu.memory_space<vmem>>)
      %add3A_264 = arith.constant 3 : i32
      %add3A_265 = arith.addi %add3A_257, %add3A_264 : i32
      %lt3A_266 = arith.constant 50 : i32
      %lt3A_267 = arith.cmpi slt, %add3A_265, %lt3A_266 : i32
      %convert_element_type3A_268 = arith.extui %lt3A_267 : i1 to i32
      %cond3A_269 = arith.constant 0 : i32
      %cond3A_270 = arith.cmpi ne, %convert_element_type3A_268, %cond3A_269 : i32
      scf.if %cond3A_270 {
        %add3A_442 = arith.constant 3 : i32
        %add3A_443 = arith.addi %add3A_257, %add3A_442 : i32
        %dma_start3A_444 = arith.constant 0 : i32
        %dma_start3A_445 = tpu.memref_slice %arg5[%add3A_443, %dma_start3A_444] : memref<50x128xi32, #tpu.memory_space<vmem>> -> memref<1x128xi32, #tpu.memory_space<vmem>>
        %dma_start3A_446 = tpu.memref_squeeze %dma_start3A_445 : memref<1x128xi32, #tpu.memory_space<vmem>> -> memref<128xi32, #tpu.memory_space<vmem>>
        %dma_start3A_447 = arith.constant 0 : i32
        %dma_start3A_448 = arith.constant 0 : i32
        %dma_start3A_449 = tpu.memref_slice %arg3[%dma_start3A_447, %dma_start3A_448] : memref<100000x64xf32, #tpu.memory_space<hbm>> -> memref<100000x64xf32, #tpu.memory_space<hbm>>
        tpu.enqueue_indirect_dma source(%dma_start3A_449 : memref<100000x64xf32, #tpu.memory_space<hbm>>) target(%arg6 : memref<128x64xf32, #tpu.memory_space<vmem>>) offsets(%dma_start3A_446 : memref<128xi32, #tpu.memory_space<vmem>>) semaphore(%arg12 : memref<!tpu.dma_semaphore, #tpu.memory_space<semaphore_mem>>)
      } else {
      }
      %ge3A_271 = arith.constant 2 : i32
      %ge3A_272 = arith.cmpi sge, %add3A_257, %ge3A_271 : i32
      %convert_element_type3A_273 = arith.extui %ge3A_272 : i1 to i32
      %cond3A_274 = arith.constant 0 : i32
      %cond3A_275 = arith.cmpi ne, %convert_element_type3A_273, %cond3A_274 : i32
      scf.if %cond3A_275 {
        %sub3A = arith.constant 2 : i32
        %sub3A_442 = arith.subi %add3A_257, %sub3A : i32
        %mul3A_443 = arith.constant 8 : i32
        %mul3A_444 = arith.muli %sub3A_442, %mul3A_443 : i32
        %dma_wait3A_445 = arith.constant 0 : i32
        %dma_wait3A_446 = arith.constant 0 : i32
        %dma_wait3A_447 = arith.constant 0 : i32
        %dma_wait3A_448 = tpu.memref_slice %arg11[%dma_wait3A_445, %dma_wait3A_446, %dma_wait3A_447] : memref<8x8x129xf32, #tpu.memory_space<vmem>> -> memref<8x8x128xf32, #tpu.memory_space<vmem>>
        %dma_wait3A_449 = arith.constant 0 : i32
        %dma_wait3A_450 = arith.constant 0 : i32
        %dma_wait3A_451 = tpu.memref_slice %arg4[%mul3A_444, %add3A, %dma_wait3A_449, %dma_wait3A_450] : memref<400x32x8x128xf32, #tpu.memory_space<hbm>> -> memref<8x1x8x128xf32, #tpu.memory_space<hbm>>
        %dma_wait3A_452 = tpu.memref_squeeze %dma_wait3A_451 : memref<8x1x8x128xf32, #tpu.memory_space<hbm>> -> memref<8x8x128xf32, #tpu.memory_space<hbm>>
        %dma_wait3A_453 = arith.constant 0 : i32
        %dma_wait3A_454 = arith.constant 0 : i32
        %dma_wait3A_455 = tpu.memref_slice %arg4[%mul3A_444, %add3A, %dma_wait3A_453, %dma_wait3A_454] : memref<400x32x8x128xf32, #tpu.memory_space<hbm>> -> memref<8x1x8x128xf32, #tpu.memory_space<hbm>>
        %dma_wait3A_456 = tpu.memref_squeeze %dma_wait3A_455 : memref<8x1x8x128xf32, #tpu.memory_space<hbm>> -> memref<8x8x128xf32, #tpu.memory_space<hbm>>
        %dma_wait3A_457 = arith.constant 0 : i32
        %dma_wait3A_458 = arith.constant 0 : i32
        %dma_wait3A_459 = arith.constant 0 : i32
        %dma_wait3A_460 = tpu.memref_slice %arg11[%dma_wait3A_457, %dma_wait3A_458, %dma_wait3A_459] : memref<8x8x129xf32, #tpu.memory_space<vmem>> -> memref<8x8x128xf32, #tpu.memory_space<vmem>>
        tpu.wait_dma2 semaphore(%arg17 : memref<!tpu.dma_semaphore, #tpu.memory_space<semaphore_mem>>) src(%dma_wait3A_460 : memref<8x8x128xf32, #tpu.memory_space<vmem>>) dst(%dma_wait3A_456 : memref<8x8x128xf32, #tpu.memory_space<hbm>>)
      } else {
      }
      %iota3A_276 = tpu.iota {dimensions = array<i32: 0>} : vector<16xi32>
      %and3A_277 = arith.constant 7 : i32
      %and3A_278 = vector.broadcast %and3A_277 : i32 to vector<16xi32>
      %and3A_279 = arith.andi %iota3A_276, %and3A_278 : vector<16xi32>
      %shift_right_logical3A_280 = arith.constant 3 : i32
      %shift_right_logical3A_281 = vector.broadcast %shift_right_logical3A_280 : i32 to vector<16xi32>
      %shift_right_logical3A_282 = arith.shrui %iota3A_276, %shift_right_logical3A_281 : vector<16xi32>
      %add3A_283 = arith.constant 0 : i32
      %add3A_284 = vector.broadcast %add3A_283 : i32 to vector<16xi32>
      %add3A_285 = arith.addi %shift_right_logical3A_282, %add3A_284 : vector<16xi32>
      %add3A_286 = arith.constant 2 : i32
      %add3A_287 = vector.broadcast %add3A_286 : i32 to vector<16xi32>
      %add3A_288 = arith.addi %shift_right_logical3A_282, %add3A_287 : vector<16xi32>
      %add3A_289 = arith.constant 4 : i32
      %add3A_290 = vector.broadcast %add3A_289 : i32 to vector<16xi32>
      %add3A_291 = arith.addi %shift_right_logical3A_282, %add3A_290 : vector<16xi32>
      %add3A_292 = arith.constant 6 : i32
      %add3A_293 = vector.broadcast %add3A_292 : i32 to vector<16xi32>
      %add3A_294 = arith.addi %shift_right_logical3A_282, %add3A_293 : vector<16xi32>
      %scan3A_295 = arith.constant 0 : i32
      %scan3A_296 = arith.constant 64 : i32
      %scan3A_297 = arith.addi %scan3A_295, %scan3A_296 : i32
      %scan3A_298 = arith.constant 1 : i32
      scf.for %scan3A_442 = %scan3A_295 to %scan3A_297 step %scan3A_298  : i32 {
        %mul3A_443 = arith.constant 2 : i32
        %mul3A_444 = arith.muli %scan3A_442, %mul3A_443 : i32
        %add3A_445 = arith.constant 0 : i32
        %add3A_446 = arith.addi %add3A_445, %mul3A_444 : i32
        %add3A_447 = arith.constant 1 : i32
        %add3A_448 = arith.addi %add3A_446, %add3A_447 : i32
        %get3A = arith.index_cast %add3A_446 : i32 to index
        %get3A_449 = arith.constant 0 : index
        %get3A_450 = tpu.vector_load %arg7[%get3A, %get3A_449] {strides = array<i32>} : memref<128x64xf32, #tpu.memory_space<vmem>>, vector<16xf32>,
        %get3A_451 = arith.index_cast %add3A_446 : i32 to index
        %get3A_452 = arith.constant 16 : index
        %get3A_453 = tpu.vector_load %arg7[%get3A_451, %get3A_452] {strides = array<i32>} : memref<128x64xf32, #tpu.memory_space<vmem>>, vector<16xf32>,
        %get3A_454 = arith.index_cast %add3A_446 : i32 to index
        %get3A_455 = arith.constant 32 : index
        %get3A_456 = tpu.vector_load %arg7[%get3A_454, %get3A_455] {strides = array<i32>} : memref<128x64xf32, #tpu.memory_space<vmem>>, vector<16xf32>,
        %get3A_457 = arith.index_cast %add3A_446 : i32 to index
        %get3A_458 = arith.constant 48 : index
        %get3A_459 = tpu.vector_load %arg7[%get3A_457, %get3A_458] {strides = array<i32>} : memref<128x64xf32, #tpu.memory_space<vmem>>, vector<16xf32>,
        %broadcast_in_dim3A = vector.broadcast %add3A_446 : i32 to vector<16xi32>
        tpu.vector_store_idx %arg11[%add3A_285, %and3A_279, %broadcast_in_dim3A], %get3A_450 : memref<8x8x129xf32, #tpu.memory_space<vmem>>[vector<16xi32>, vector<16xi32>, vector<16xi32>], vector<16xf32>,
        tpu.vector_store_idx %arg11[%add3A_288, %and3A_279, %broadcast_in_dim3A], %get3A_453 : memref<8x8x129xf32, #tpu.memory_space<vmem>>[vector<16xi32>, vector<16xi32>, vector<16xi32>], vector<16xf32>,
        tpu.vector_store_idx %arg11[%add3A_291, %and3A_279, %broadcast_in_dim3A], %get3A_456 : memref<8x8x129xf32, #tpu.memory_space<vmem>>[vector<16xi32>, vector<16xi32>, vector<16xi32>], vector<16xf32>,
        tpu.vector_store_idx %arg11[%add3A_294, %and3A_279, %broadcast_in_dim3A], %get3A_459 : memref<8x8x129xf32, #tpu.memory_space<vmem>>[vector<16xi32>, vector<16xi32>, vector<16xi32>], vector<16xf32>,
        %get3A_460 = arith.index_cast %add3A_448 : i32 to index
        %get3A_461 = arith.constant 0 : index
        %get3A_462 = tpu.vector_load %arg7[%get3A_460, %get3A_461] {strides = array<i32>} : memref<128x64xf32, #tpu.memory_space<vmem>>, vector<16xf32>,
        %get3A_463 = arith.index_cast %add3A_448 : i32 to index
        %get3A_464 = arith.constant 16 : index
        %get3A_465 = tpu.vector_load %arg7[%get3A_463, %get3A_464] {strides = array<i32>} : memref<128x64xf32, #tpu.memory_space<vmem>>, vector<16xf32>,
        %get3A_466 = arith.index_cast %add3A_448 : i32 to index
        %get3A_467 = arith.constant 32 : index
        %get3A_468 = tpu.vector_load %arg7[%get3A_466, %get3A_467] {strides = array<i32>} : memref<128x64xf32, #tpu.memory_space<vmem>>, vector<16xf32>,
        %get3A_469 = arith.index_cast %add3A_448 : i32 to index
        %get3A_470 = arith.constant 48 : index
        %get3A_471 = tpu.vector_load %arg7[%get3A_469, %get3A_470] {strides = array<i32>} : memref<128x64xf32, #tpu.memory_space<vmem>>, vector<16xf32>,
        %broadcast_in_dim3A_472 = vector.broadcast %add3A_448 : i32 to vector<16xi32>
        tpu.vector_store_idx %arg11[%add3A_285, %and3A_279, %broadcast_in_dim3A_472], %get3A_462 : memref<8x8x129xf32, #tpu.memory_space<vmem>>[vector<16xi32>, vector<16xi32>, vector<16xi32>], vector<16xf32>,
        tpu.vector_store_idx %arg11[%add3A_288, %and3A_279, %broadcast_in_dim3A_472], %get3A_465 : memref<8x8x129xf32, #tpu.memory_space<vmem>>[vector<16xi32>, vector<16xi32>, vector<16xi32>], vector<16xf32>,
        tpu.vector_store_idx %arg11[%add3A_291, %and3A_279, %broadcast_in_dim3A_472], %get3A_468 : memref<8x8x129xf32, #tpu.memory_space<vmem>>[vector<16xi32>, vector<16xi32>, vector<16xi32>], vector<16xf32>,
        tpu.vector_store_idx %arg11[%add3A_294, %and3A_279, %broadcast_in_dim3A_472], %get3A_471 : memref<8x8x129xf32, #tpu.memory_space<vmem>>[vector<16xi32>, vector<16xi32>, vector<16xi32>], vector<16xf32>,
      }
      %scan3A_299 = arith.constant 64 : i32
      %mul3A_300 = arith.constant 8 : i32
      %mul3A_301 = arith.muli %add3A_257, %mul3A_300 : i32
      %dma_start3A_302 = arith.constant 0 : i32
      %dma_start3A_303 = arith.constant 0 : i32
      %dma_start3A_304 = arith.constant 0 : i32
      %dma_start3A_305 = tpu.memref_slice %arg11[%dma_start3A_302, %dma_start3A_303, %dma_start3A_304] : memref<8x8x129xf32, #tpu.memory_space<vmem>> -> memref<8x8x128xf32, #tpu.memory_space<vmem>>
      %dma_start3A_306 = arith.constant 0 : i32
      %dma_start3A_307 = arith.constant 0 : i32
      %dma_start3A_308 = tpu.memref_slice %arg4[%mul3A_301, %add3A, %dma_start3A_306, %dma_start3A_307] : memref<400x32x8x128xf32, #tpu.memory_space<hbm>> -> memref<8x1x8x128xf32, #tpu.memory_space<hbm>>
      %dma_start3A_309 = tpu.memref_squeeze %dma_start3A_308 : memref<8x1x8x128xf32, #tpu.memory_space<hbm>> -> memref<8x8x128xf32, #tpu.memory_space<hbm>>
      %dma_start3A_310 = arith.constant 0 : i32
      %dma_start3A_311 = arith.constant 0 : i32
      %dma_start3A_312 = tpu.memref_slice %arg4[%mul3A_301, %add3A, %dma_start3A_310, %dma_start3A_311] : memref<400x32x8x128xf32, #tpu.memory_space<hbm>> -> memref<8x1x8x128xf32, #tpu.memory_space<hbm>>
      %dma_start3A_313 = tpu.memref_squeeze %dma_start3A_312 : memref<8x1x8x128xf32, #tpu.memory_space<hbm>> -> memref<8x8x128xf32, #tpu.memory_space<hbm>>
      %dma_start3A_314 = arith.constant 0 : i32
      %dma_start3A_315 = arith.constant 0 : i32
      %dma_start3A_316 = arith.constant 0 : i32
      %dma_start3A_317 = tpu.memref_slice %arg11[%dma_start3A_314, %dma_start3A_315, %dma_start3A_316] : memref<8x8x129xf32, #tpu.memory_space<vmem>> -> memref<8x8x128xf32, #tpu.memory_space<vmem>>
      tpu.enqueue_dma source(%dma_start3A_317 : memref<8x8x128xf32, #tpu.memory_space<vmem>>) target(%dma_start3A_313 : memref<8x8x128xf32, #tpu.memory_space<hbm>>) target_semaphore(%arg17 : memref<!tpu.dma_semaphore, #tpu.memory_space<semaphore_mem>>)
      %add3A_318 = arith.constant 2 : i32
      %add3A_319 = arith.addi %add3A_197, %add3A_318 : i32
      %dma_wait3A_320 = arith.constant 0 : i32
      %dma_wait3A_321 = tpu.memref_slice %arg5[%add3A_319, %dma_wait3A_320] : memref<50x128xi32, #tpu.memory_space<vmem>> -> memref<1x128xi32, #tpu.memory_space<vmem>>
      %dma_wait3A_322 = tpu.memref_squeeze %dma_wait3A_321 : memref<1x128xi32, #tpu.memory_space<vmem>> -> memref<128xi32, #tpu.memory_space<vmem>>
      %dma_wait3A_323 = arith.constant 0 : i32
      %dma_wait3A_324 = arith.constant 0 : i32
      %dma_wait3A_325 = tpu.memref_slice %arg3[%dma_wait3A_323, %dma_wait3A_324] : memref<100000x64xf32, #tpu.memory_space<hbm>> -> memref<100000x64xf32, #tpu.memory_space<hbm>>
      tpu.wait_indirect_dma semaphore(%arg14 : memref<!tpu.dma_semaphore, #tpu.memory_space<semaphore_mem>>) src(%dma_wait3A_325 : memref<100000x64xf32, #tpu.memory_space<hbm>>) dst(%arg8 : memref<128x64xf32, #tpu.memory_space<vmem>>)
      %add3A_326 = arith.constant 3 : i32
      %add3A_327 = arith.addi %add3A_319, %add3A_326 : i32
      %lt3A_328 = arith.constant 50 : i32
      %lt3A_329 = arith.cmpi slt, %add3A_327, %lt3A_328 : i32
      %convert_element_type3A_330 = arith.extui %lt3A_329 : i1 to i32
      %cond3A_331 = arith.constant 0 : i32
      %cond3A_332 = arith.cmpi ne, %convert_element_type3A_330, %cond3A_331 : i32
      scf.if %cond3A_332 {
        %add3A_442 = arith.constant 3 : i32
        %add3A_443 = arith.addi %add3A_319, %add3A_442 : i32
        %dma_start3A_444 = arith.constant 0 : i32
        %dma_start3A_445 = tpu.memref_slice %arg5[%add3A_443, %dma_start3A_444] : memref<50x128xi32, #tpu.memory_space<vmem>> -> memref<1x128xi32, #tpu.memory_space<vmem>>
        %dma_start3A_446 = tpu.memref_squeeze %dma_start3A_445 : memref<1x128xi32, #tpu.memory_space<vmem>> -> memref<128xi32, #tpu.memory_space<vmem>>
        %dma_start3A_447 = arith.constant 0 : i32
        %dma_start3A_448 = arith.constant 0 : i32
        %dma_start3A_449 = tpu.memref_slice %arg3[%dma_start3A_447, %dma_start3A_448] : memref<100000x64xf32, #tpu.memory_space<hbm>> -> memref<100000x64xf32, #tpu.memory_space<hbm>>
        tpu.enqueue_indirect_dma source(%dma_start3A_449 : memref<100000x64xf32, #tpu.memory_space<hbm>>) target(%arg7 : memref<128x64xf32, #tpu.memory_space<vmem>>) offsets(%dma_start3A_446 : memref<128xi32, #tpu.memory_space<vmem>>) semaphore(%arg13 : memref<!tpu.dma_semaphore, #tpu.memory_space<semaphore_mem>>)
      } else {
      }
      %ge3A_333 = arith.constant 2 : i32
      %ge3A_334 = arith.cmpi sge, %add3A_319, %ge3A_333 : i32
      %convert_element_type3A_335 = arith.extui %ge3A_334 : i1 to i32
      %cond3A_336 = arith.constant 0 : i32
      %cond3A_337 = arith.cmpi ne, %convert_element_type3A_335, %cond3A_336 : i32
      scf.if %cond3A_337 {
        %sub3A = arith.constant 2 : i32
        %sub3A_442 = arith.subi %add3A_319, %sub3A : i32
        %mul3A_443 = arith.constant 8 : i32
        %mul3A_444 = arith.muli %sub3A_442, %mul3A_443 : i32
        %dma_wait3A_445 = arith.constant 0 : i32
        %dma_wait3A_446 = arith.constant 0 : i32
        %dma_wait3A_447 = arith.constant 0 : i32
        %dma_wait3A_448 = tpu.memref_slice %arg10[%dma_wait3A_445, %dma_wait3A_446, %dma_wait3A_447] : memref<8x8x129xf32, #tpu.memory_space<vmem>> -> memref<8x8x128xf32, #tpu.memory_space<vmem>>
        %dma_wait3A_449 = arith.constant 0 : i32
        %dma_wait3A_450 = arith.constant 0 : i32
        %dma_wait3A_451 = tpu.memref_slice %arg4[%mul3A_444, %add3A, %dma_wait3A_449, %dma_wait3A_450] : memref<400x32x8x128xf32, #tpu.memory_space<hbm>> -> memref<8x1x8x128xf32, #tpu.memory_space<hbm>>
        %dma_wait3A_452 = tpu.memref_squeeze %dma_wait3A_451 : memref<8x1x8x128xf32, #tpu.memory_space<hbm>> -> memref<8x8x128xf32, #tpu.memory_space<hbm>>
        %dma_wait3A_453 = arith.constant 0 : i32
        %dma_wait3A_454 = arith.constant 0 : i32
        %dma_wait3A_455 = tpu.memref_slice %arg4[%mul3A_444, %add3A, %dma_wait3A_453, %dma_wait3A_454] : memref<400x32x8x128xf32, #tpu.memory_space<hbm>> -> memref<8x1x8x128xf32, #tpu.memory_space<hbm>>
        %dma_wait3A_456 = tpu.memref_squeeze %dma_wait3A_455 : memref<8x1x8x128xf32, #tpu.memory_space<hbm>> -> memref<8x8x128xf32, #tpu.memory_space<hbm>>
        %dma_wait3A_457 = arith.constant 0 : i32
        %dma_wait3A_458 = arith.constant 0 : i32
        %dma_wait3A_459 = arith.constant 0 : i32
        %dma_wait3A_460 = tpu.memref_slice %arg10[%dma_wait3A_457, %dma_wait3A_458, %dma_wait3A_459] : memref<8x8x129xf32, #tpu.memory_space<vmem>> -> memref<8x8x128xf32, #tpu.memory_space<vmem>>
        tpu.wait_dma2 semaphore(%arg16 : memref<!tpu.dma_semaphore, #tpu.memory_space<semaphore_mem>>) src(%dma_wait3A_460 : memref<8x8x128xf32, #tpu.memory_space<vmem>>) dst(%dma_wait3A_456 : memref<8x8x128xf32, #tpu.memory_space<hbm>>)
      } else {
      }
      %iota3A_338 = tpu.iota {dimensions = array<i32: 0>} : vector<16xi32>
      %and3A_339 = arith.constant 7 : i32
      %and3A_340 = vector.broadcast %and3A_339 : i32 to vector<16xi32>
      %and3A_341 = arith.andi %iota3A_338, %and3A_340 : vector<16xi32>
      %shift_right_logical3A_342 = arith.constant 3 : i32
      %shift_right_logical3A_343 = vector.broadcast %shift_right_logical3A_342 : i32 to vector<16xi32>
      %shift_right_logical3A_344 = arith.shrui %iota3A_338, %shift_right_logical3A_343 : vector<16xi32>
      %add3A_345 = arith.constant 0 : i32
      %add3A_346 = vector.broadcast %add3A_345 : i32 to vector<16xi32>
      %add3A_347 = arith.addi %shift_right_logical3A_344, %add3A_346 : vector<16xi32>
      %add3A_348 = arith.constant 2 : i32
      %add3A_349 = vector.broadcast %add3A_348 : i32 to vector<16xi32>
      %add3A_350 = arith.addi %shift_right_logical3A_344, %add3A_349 : vector<16xi32>
      %add3A_351 = arith.constant 4 : i32
      %add3A_352 = vector.broadcast %add3A_351 : i32 to vector<16xi32>
      %add3A_353 = arith.addi %shift_right_logical3A_344, %add3A_352 : vector<16xi32>
      %add3A_354 = arith.constant 6 : i32
      %add3A_355 = vector.broadcast %add3A_354 : i32 to vector<16xi32>
      %add3A_356 = arith.addi %shift_right_logical3A_344, %add3A_355 : vector<16xi32>
      %scan3A_357 = arith.constant 0 : i32
      %scan3A_358 = arith.constant 64 : i32
      %scan3A_359 = arith.addi %scan3A_357, %scan3A_358 : i32
      %scan3A_360 = arith.constant 1 : i32
      scf.for %scan3A_442 = %scan3A_357 to %scan3A_359 step %scan3A_360  : i32 {
        %mul3A_443 = arith.constant 2 : i32
        %mul3A_444 = arith.muli %scan3A_442, %mul3A_443 : i32
        %add3A_445 = arith.constant 0 : i32
        %add3A_446 = arith.addi %add3A_445, %mul3A_444 : i32
        %add3A_447 = arith.constant 1 : i32
        %add3A_448 = arith.addi %add3A_446, %add3A_447 : i32
        %get3A = arith.index_cast %add3A_446 : i32 to index
        %get3A_449 = arith.constant 0 : index
        %get3A_450 = tpu.vector_load %arg8[%get3A, %get3A_449] {strides = array<i32>} : memref<128x64xf32, #tpu.memory_space<vmem>>, vector<16xf32>,
        %get3A_451 = arith.index_cast %add3A_446 : i32 to index
        %get3A_452 = arith.constant 16 : index
        %get3A_453 = tpu.vector_load %arg8[%get3A_451, %get3A_452] {strides = array<i32>} : memref<128x64xf32, #tpu.memory_space<vmem>>, vector<16xf32>,
        %get3A_454 = arith.index_cast %add3A_446 : i32 to index
        %get3A_455 = arith.constant 32 : index
        %get3A_456 = tpu.vector_load %arg8[%get3A_454, %get3A_455] {strides = array<i32>} : memref<128x64xf32, #tpu.memory_space<vmem>>, vector<16xf32>,
        %get3A_457 = arith.index_cast %add3A_446 : i32 to index
        %get3A_458 = arith.constant 48 : index
        %get3A_459 = tpu.vector_load %arg8[%get3A_457, %get3A_458] {strides = array<i32>} : memref<128x64xf32, #tpu.memory_space<vmem>>, vector<16xf32>,
        %broadcast_in_dim3A = vector.broadcast %add3A_446 : i32 to vector<16xi32>
        tpu.vector_store_idx %arg10[%add3A_347, %and3A_341, %broadcast_in_dim3A], %get3A_450 : memref<8x8x129xf32, #tpu.memory_space<vmem>>[vector<16xi32>, vector<16xi32>, vector<16xi32>], vector<16xf32>,
        tpu.vector_store_idx %arg10[%add3A_350, %and3A_341, %broadcast_in_dim3A], %get3A_453 : memref<8x8x129xf32, #tpu.memory_space<vmem>>[vector<16xi32>, vector<16xi32>, vector<16xi32>], vector<16xf32>,
        tpu.vector_store_idx %arg10[%add3A_353, %and3A_341, %broadcast_in_dim3A], %get3A_456 : memref<8x8x129xf32, #tpu.memory_space<vmem>>[vector<16xi32>, vector<16xi32>, vector<16xi32>], vector<16xf32>,
        tpu.vector_store_idx %arg10[%add3A_356, %and3A_341, %broadcast_in_dim3A], %get3A_459 : memref<8x8x129xf32, #tpu.memory_space<vmem>>[vector<16xi32>, vector<16xi32>, vector<16xi32>], vector<16xf32>,
        %get3A_460 = arith.index_cast %add3A_448 : i32 to index
        %get3A_461 = arith.constant 0 : index
        %get3A_462 = tpu.vector_load %arg8[%get3A_460, %get3A_461] {strides = array<i32>} : memref<128x64xf32, #tpu.memory_space<vmem>>, vector<16xf32>,
        %get3A_463 = arith.index_cast %add3A_448 : i32 to index
        %get3A_464 = arith.constant 16 : index
        %get3A_465 = tpu.vector_load %arg8[%get3A_463, %get3A_464] {strides = array<i32>} : memref<128x64xf32, #tpu.memory_space<vmem>>, vector<16xf32>,
        %get3A_466 = arith.index_cast %add3A_448 : i32 to index
        %get3A_467 = arith.constant 32 : index
        %get3A_468 = tpu.vector_load %arg8[%get3A_466, %get3A_467] {strides = array<i32>} : memref<128x64xf32, #tpu.memory_space<vmem>>, vector<16xf32>,
        %get3A_469 = arith.index_cast %add3A_448 : i32 to index
        %get3A_470 = arith.constant 48 : index
        %get3A_471 = tpu.vector_load %arg8[%get3A_469, %get3A_470] {strides = array<i32>} : memref<128x64xf32, #tpu.memory_space<vmem>>, vector<16xf32>,
        %broadcast_in_dim3A_472 = vector.broadcast %add3A_448 : i32 to vector<16xi32>
        tpu.vector_store_idx %arg10[%add3A_347, %and3A_341, %broadcast_in_dim3A_472], %get3A_462 : memref<8x8x129xf32, #tpu.memory_space<vmem>>[vector<16xi32>, vector<16xi32>, vector<16xi32>], vector<16xf32>,
        tpu.vector_store_idx %arg10[%add3A_350, %and3A_341, %broadcast_in_dim3A_472], %get3A_465 : memref<8x8x129xf32, #tpu.memory_space<vmem>>[vector<16xi32>, vector<16xi32>, vector<16xi32>], vector<16xf32>,
        tpu.vector_store_idx %arg10[%add3A_353, %and3A_341, %broadcast_in_dim3A_472], %get3A_468 : memref<8x8x129xf32, #tpu.memory_space<vmem>>[vector<16xi32>, vector<16xi32>, vector<16xi32>], vector<16xf32>,
        tpu.vector_store_idx %arg10[%add3A_356, %and3A_341, %broadcast_in_dim3A_472], %get3A_471 : memref<8x8x129xf32, #tpu.memory_space<vmem>>[vector<16xi32>, vector<16xi32>, vector<16xi32>], vector<16xf32>,
      }
      %scan3A_361 = arith.constant 64 : i32
      %mul3A_362 = arith.constant 8 : i32
      %mul3A_363 = arith.muli %add3A_319, %mul3A_362 : i32
      %dma_start3A_364 = arith.constant 0 : i32
      %dma_start3A_365 = arith.constant 0 : i32
      %dma_start3A_366 = arith.constant 0 : i32
      %dma_start3A_367 = tpu.memref_slice %arg10[%dma_start3A_364, %dma_start3A_365, %dma_start3A_366] : memref<8x8x129xf32, #tpu.memory_space<vmem>> -> memref<8x8x128xf32, #tpu.memory_space<vmem>>
      %dma_start3A_368 = arith.constant 0 : i32
      %dma_start3A_369 = arith.constant 0 : i32
      %dma_start3A_370 = tpu.memref_slice %arg4[%mul3A_363, %add3A, %dma_start3A_368, %dma_start3A_369] : memref<400x32x8x128xf32, #tpu.memory_space<hbm>> -> memref<8x1x8x128xf32, #tpu.memory_space<hbm>>
      %dma_start3A_371 = tpu.memref_squeeze %dma_start3A_370 : memref<8x1x8x128xf32, #tpu.memory_space<hbm>> -> memref<8x8x128xf32, #tpu.memory_space<hbm>>
      %dma_start3A_372 = arith.constant 0 : i32
      %dma_start3A_373 = arith.constant 0 : i32
      %dma_start3A_374 = tpu.memref_slice %arg4[%mul3A_363, %add3A, %dma_start3A_372, %dma_start3A_373] : memref<400x32x8x128xf32, #tpu.memory_space<hbm>> -> memref<8x1x8x128xf32, #tpu.memory_space<hbm>>
      %dma_start3A_375 = tpu.memref_squeeze %dma_start3A_374 : memref<8x1x8x128xf32, #tpu.memory_space<hbm>> -> memref<8x8x128xf32, #tpu.memory_space<hbm>>
      %dma_start3A_376 = arith.constant 0 : i32
      %dma_start3A_377 = arith.constant 0 : i32
      %dma_start3A_378 = arith.constant 0 : i32
      %dma_start3A_379 = tpu.memref_slice %arg10[%dma_start3A_376, %dma_start3A_377, %dma_start3A_378] : memref<8x8x129xf32, #tpu.memory_space<vmem>> -> memref<8x8x128xf32, #tpu.memory_space<vmem>>
      tpu.enqueue_dma source(%dma_start3A_379 : memref<8x8x128xf32, #tpu.memory_space<vmem>>) target(%dma_start3A_375 : memref<8x8x128xf32, #tpu.memory_space<hbm>>) target_semaphore(%arg16 : memref<!tpu.dma_semaphore, #tpu.memory_space<semaphore_mem>>)
      %add3A_380 = arith.constant 3 : i32
      %add3A_381 = arith.addi %add3A_197, %add3A_380 : i32
      %dma_wait3A_382 = arith.constant 0 : i32
      %dma_wait3A_383 = tpu.memref_slice %arg5[%add3A_381, %dma_wait3A_382] : memref<50x128xi32, #tpu.memory_space<vmem>> -> memref<1x128xi32, #tpu.memory_space<vmem>>
      %dma_wait3A_384 = tpu.memref_squeeze %dma_wait3A_383 : memref<1x128xi32, #tpu.memory_space<vmem>> -> memref<128xi32, #tpu.memory_space<vmem>>
      %dma_wait3A_385 = arith.constant 0 : i32
      %dma_wait3A_386 = arith.constant 0 : i32
      %dma_wait3A_387 = tpu.memref_slice %arg3[%dma_wait3A_385, %dma_wait3A_386] : memref<100000x64xf32, #tpu.memory_space<hbm>> -> memref<100000x64xf32, #tpu.memory_space<hbm>>
      tpu.wait_indirect_dma semaphore(%arg15 : memref<!tpu.dma_semaphore, #tpu.memory_space<semaphore_mem>>) src(%dma_wait3A_387 : memref<100000x64xf32, #tpu.memory_space<hbm>>) dst(%arg9 : memref<128x64xf32, #tpu.memory_space<vmem>>)
      %add3A_388 = arith.constant 3 : i32
      %add3A_389 = arith.addi %add3A_381, %add3A_388 : i32
      %lt3A_390 = arith.constant 50 : i32
      %lt3A_391 = arith.cmpi slt, %add3A_389, %lt3A_390 : i32
      %convert_element_type3A_392 = arith.extui %lt3A_391 : i1 to i32
      %cond3A_393 = arith.constant 0 : i32
      %cond3A_394 = arith.cmpi ne, %convert_element_type3A_392, %cond3A_393 : i32
      scf.if %cond3A_394 {
        %add3A_442 = arith.constant 3 : i32
        %add3A_443 = arith.addi %add3A_381, %add3A_442 : i32
        %dma_start3A_444 = arith.constant 0 : i32
        %dma_start3A_445 = tpu.memref_slice %arg5[%add3A_443, %dma_start3A_444] : memref<50x128xi32, #tpu.memory_space<vmem>> -> memref<1x128xi32, #tpu.memory_space<vmem>>
        %dma_start3A_446 = tpu.memref_squeeze %dma_start3A_445 : memref<1x128xi32, #tpu.memory_space<vmem>> -> memref<128xi32, #tpu.memory_space<vmem>>
        %dma_start3A_447 = arith.constant 0 : i32
        %dma_start3A_448 = arith.constant 0 : i32
        %dma_start3A_449 = tpu.memref_slice %arg3[%dma_start3A_447, %dma_start3A_448] : memref<100000x64xf32, #tpu.memory_space<hbm>> -> memref<100000x64xf32, #tpu.memory_space<hbm>>
        tpu.enqueue_indirect_dma source(%dma_start3A_449 : memref<100000x64xf32, #tpu.memory_space<hbm>>) target(%arg8 : memref<128x64xf32, #tpu.memory_space<vmem>>) offsets(%dma_start3A_446 : memref<128xi32, #tpu.memory_space<vmem>>) semaphore(%arg14 : memref<!tpu.dma_semaphore, #tpu.memory_space<semaphore_mem>>)
      } else {
      }
      %ge3A_395 = arith.constant 2 : i32
      %ge3A_396 = arith.cmpi sge, %add3A_381, %ge3A_395 : i32
      %convert_element_type3A_397 = arith.extui %ge3A_396 : i1 to i32
      %cond3A_398 = arith.constant 0 : i32
      %cond3A_399 = arith.cmpi ne, %convert_element_type3A_397, %cond3A_398 : i32
      scf.if %cond3A_399 {
        %sub3A = arith.constant 2 : i32
        %sub3A_442 = arith.subi %add3A_381, %sub3A : i32
        %mul3A_443 = arith.constant 8 : i32
        %mul3A_444 = arith.muli %sub3A_442, %mul3A_443 : i32
        %dma_wait3A_445 = arith.constant 0 : i32
        %dma_wait3A_446 = arith.constant 0 : i32
        %dma_wait3A_447 = arith.constant 0 : i32
        %dma_wait3A_448 = tpu.memref_slice %arg11[%dma_wait3A_445, %dma_wait3A_446, %dma_wait3A_447] : memref<8x8x129xf32, #tpu.memory_space<vmem>> -> memref<8x8x128xf32, #tpu.memory_space<vmem>>
        %dma_wait3A_449 = arith.constant 0 : i32
        %dma_wait3A_450 = arith.constant 0 : i32
        %dma_wait3A_451 = tpu.memref_slice %arg4[%mul3A_444, %add3A, %dma_wait3A_449, %dma_wait3A_450] : memref<400x32x8x128xf32, #tpu.memory_space<hbm>> -> memref<8x1x8x128xf32, #tpu.memory_space<hbm>>
        %dma_wait3A_452 = tpu.memref_squeeze %dma_wait3A_451 : memref<8x1x8x128xf32, #tpu.memory_space<hbm>> -> memref<8x8x128xf32, #tpu.memory_space<hbm>>
        %dma_wait3A_453 = arith.constant 0 : i32
        %dma_wait3A_454 = arith.constant 0 : i32
        %dma_wait3A_455 = tpu.memref_slice %arg4[%mul3A_444, %add3A, %dma_wait3A_453, %dma_wait3A_454] : memref<400x32x8x128xf32, #tpu.memory_space<hbm>> -> memref<8x1x8x128xf32, #tpu.memory_space<hbm>>
        %dma_wait3A_456 = tpu.memref_squeeze %dma_wait3A_455 : memref<8x1x8x128xf32, #tpu.memory_space<hbm>> -> memref<8x8x128xf32, #tpu.memory_space<hbm>>
        %dma_wait3A_457 = arith.constant 0 : i32
        %dma_wait3A_458 = arith.constant 0 : i32
        %dma_wait3A_459 = arith.constant 0 : i32
        %dma_wait3A_460 = tpu.memref_slice %arg11[%dma_wait3A_457, %dma_wait3A_458, %dma_wait3A_459] : memref<8x8x129xf32, #tpu.memory_space<vmem>> -> memref<8x8x128xf32, #tpu.memory_space<vmem>>
        tpu.wait_dma2 semaphore(%arg17 : memref<!tpu.dma_semaphore, #tpu.memory_space<semaphore_mem>>) src(%dma_wait3A_460 : memref<8x8x128xf32, #tpu.memory_space<vmem>>) dst(%dma_wait3A_456 : memref<8x8x128xf32, #tpu.memory_space<hbm>>)
      } else {
      }
      %iota3A_400 = tpu.iota {dimensions = array<i32: 0>} : vector<16xi32>
      %and3A_401 = arith.constant 7 : i32
      %and3A_402 = vector.broadcast %and3A_401 : i32 to vector<16xi32>
      %and3A_403 = arith.andi %iota3A_400, %and3A_402 : vector<16xi32>
      %shift_right_logical3A_404 = arith.constant 3 : i32
      %shift_right_logical3A_405 = vector.broadcast %shift_right_logical3A_404 : i32 to vector<16xi32>
      %shift_right_logical3A_406 = arith.shrui %iota3A_400, %shift_right_logical3A_405 : vector<16xi32>
      %add3A_407 = arith.constant 0 : i32
      %add3A_408 = vector.broadcast %add3A_407 : i32 to vector<16xi32>
      %add3A_409 = arith.addi %shift_right_logical3A_406, %add3A_408 : vector<16xi32>
      %add3A_410 = arith.constant 2 : i32
      %add3A_411 = vector.broadcast %add3A_410 : i32 to vector<16xi32>
      %add3A_412 = arith.addi %shift_right_logical3A_406, %add3A_411 : vector<16xi32>
      %add3A_413 = arith.constant 4 : i32
      %add3A_414 = vector.broadcast %add3A_413 : i32 to vector<16xi32>
      %add3A_415 = arith.addi %shift_right_logical3A_406, %add3A_414 : vector<16xi32>
      %add3A_416 = arith.constant 6 : i32
      %add3A_417 = vector.broadcast %add3A_416 : i32 to vector<16xi32>
      %add3A_418 = arith.addi %shift_right_logical3A_406, %add3A_417 : vector<16xi32>
      %scan3A_419 = arith.constant 0 : i32
      %scan3A_420 = arith.constant 64 : i32
      %scan3A_421 = arith.addi %scan3A_419, %scan3A_420 : i32
      %scan3A_422 = arith.constant 1 : i32
      scf.for %scan3A_442 = %scan3A_419 to %scan3A_421 step %scan3A_422  : i32 {
        %mul3A_443 = arith.constant 2 : i32
        %mul3A_444 = arith.muli %scan3A_442, %mul3A_443 : i32
        %add3A_445 = arith.constant 0 : i32
        %add3A_446 = arith.addi %add3A_445, %mul3A_444 : i32
        %add3A_447 = arith.constant 1 : i32
        %add3A_448 = arith.addi %add3A_446, %add3A_447 : i32
        %get3A = arith.index_cast %add3A_446 : i32 to index
        %get3A_449 = arith.constant 0 : index
        %get3A_450 = tpu.vector_load %arg9[%get3A, %get3A_449] {strides = array<i32>} : memref<128x64xf32, #tpu.memory_space<vmem>>, vector<16xf32>,
        %get3A_451 = arith.index_cast %add3A_446 : i32 to index
        %get3A_452 = arith.constant 16 : index
        %get3A_453 = tpu.vector_load %arg9[%get3A_451, %get3A_452] {strides = array<i32>} : memref<128x64xf32, #tpu.memory_space<vmem>>, vector<16xf32>,
        %get3A_454 = arith.index_cast %add3A_446 : i32 to index
        %get3A_455 = arith.constant 32 : index
        %get3A_456 = tpu.vector_load %arg9[%get3A_454, %get3A_455] {strides = array<i32>} : memref<128x64xf32, #tpu.memory_space<vmem>>, vector<16xf32>,
        %get3A_457 = arith.index_cast %add3A_446 : i32 to index
        %get3A_458 = arith.constant 48 : index
        %get3A_459 = tpu.vector_load %arg9[%get3A_457, %get3A_458] {strides = array<i32>} : memref<128x64xf32, #tpu.memory_space<vmem>>, vector<16xf32>,
        %broadcast_in_dim3A = vector.broadcast %add3A_446 : i32 to vector<16xi32>
        tpu.vector_store_idx %arg11[%add3A_409, %and3A_403, %broadcast_in_dim3A], %get3A_450 : memref<8x8x129xf32, #tpu.memory_space<vmem>>[vector<16xi32>, vector<16xi32>, vector<16xi32>], vector<16xf32>,
        tpu.vector_store_idx %arg11[%add3A_412, %and3A_403, %broadcast_in_dim3A], %get3A_453 : memref<8x8x129xf32, #tpu.memory_space<vmem>>[vector<16xi32>, vector<16xi32>, vector<16xi32>], vector<16xf32>,
        tpu.vector_store_idx %arg11[%add3A_415, %and3A_403, %broadcast_in_dim3A], %get3A_456 : memref<8x8x129xf32, #tpu.memory_space<vmem>>[vector<16xi32>, vector<16xi32>, vector<16xi32>], vector<16xf32>,
        tpu.vector_store_idx %arg11[%add3A_418, %and3A_403, %broadcast_in_dim3A], %get3A_459 : memref<8x8x129xf32, #tpu.memory_space<vmem>>[vector<16xi32>, vector<16xi32>, vector<16xi32>], vector<16xf32>,
        %get3A_460 = arith.index_cast %add3A_448 : i32 to index
        %get3A_461 = arith.constant 0 : index
        %get3A_462 = tpu.vector_load %arg9[%get3A_460, %get3A_461] {strides = array<i32>} : memref<128x64xf32, #tpu.memory_space<vmem>>, vector<16xf32>,
        %get3A_463 = arith.index_cast %add3A_448 : i32 to index
        %get3A_464 = arith.constant 16 : index
        %get3A_465 = tpu.vector_load %arg9[%get3A_463, %get3A_464] {strides = array<i32>} : memref<128x64xf32, #tpu.memory_space<vmem>>, vector<16xf32>,
        %get3A_466 = arith.index_cast %add3A_448 : i32 to index
        %get3A_467 = arith.constant 32 : index
        %get3A_468 = tpu.vector_load %arg9[%get3A_466, %get3A_467] {strides = array<i32>} : memref<128x64xf32, #tpu.memory_space<vmem>>, vector<16xf32>,
        %get3A_469 = arith.index_cast %add3A_448 : i32 to index
        %get3A_470 = arith.constant 48 : index
        %get3A_471 = tpu.vector_load %arg9[%get3A_469, %get3A_470] {strides = array<i32>} : memref<128x64xf32, #tpu.memory_space<vmem>>, vector<16xf32>,
        %broadcast_in_dim3A_472 = vector.broadcast %add3A_448 : i32 to vector<16xi32>
        tpu.vector_store_idx %arg11[%add3A_409, %and3A_403, %broadcast_in_dim3A_472], %get3A_462 : memref<8x8x129xf32, #tpu.memory_space<vmem>>[vector<16xi32>, vector<16xi32>, vector<16xi32>], vector<16xf32>,
        tpu.vector_store_idx %arg11[%add3A_412, %and3A_403, %broadcast_in_dim3A_472], %get3A_465 : memref<8x8x129xf32, #tpu.memory_space<vmem>>[vector<16xi32>, vector<16xi32>, vector<16xi32>], vector<16xf32>,
        tpu.vector_store_idx %arg11[%add3A_415, %and3A_403, %broadcast_in_dim3A_472], %get3A_468 : memref<8x8x129xf32, #tpu.memory_space<vmem>>[vector<16xi32>, vector<16xi32>, vector<16xi32>], vector<16xf32>,
        tpu.vector_store_idx %arg11[%add3A_418, %and3A_403, %broadcast_in_dim3A_472], %get3A_471 : memref<8x8x129xf32, #tpu.memory_space<vmem>>[vector<16xi32>, vector<16xi32>, vector<16xi32>], vector<16xf32>,
      }
      %scan3A_423 = arith.constant 64 : i32
      %mul3A_424 = arith.constant 8 : i32
      %mul3A_425 = arith.muli %add3A_381, %mul3A_424 : i32
      %dma_start3A_426 = arith.constant 0 : i32
      %dma_start3A_427 = arith.constant 0 : i32
      %dma_start3A_428 = arith.constant 0 : i32
      %dma_start3A_429 = tpu.memref_slice %arg11[%dma_start3A_426, %dma_start3A_427, %dma_start3A_428] : memref<8x8x129xf32, #tpu.memory_space<vmem>> -> memref<8x8x128xf32, #tpu.memory_space<vmem>>
      %dma_start3A_430 = arith.constant 0 : i32
      %dma_start3A_431 = arith.constant 0 : i32
      %dma_start3A_432 = tpu.memref_slice %arg4[%mul3A_425, %add3A, %dma_start3A_430, %dma_start3A_431] : memref<400x32x8x128xf32, #tpu.memory_space<hbm>> -> memref<8x1x8x128xf32, #tpu.memory_space<hbm>>
      %dma_start3A_433 = tpu.memref_squeeze %dma_start3A_432 : memref<8x1x8x128xf32, #tpu.memory_space<hbm>> -> memref<8x8x128xf32, #tpu.memory_space<hbm>>
      %dma_start3A_434 = arith.constant 0 : i32
      %dma_start3A_435 = arith.constant 0 : i32
      %dma_start3A_436 = tpu.memref_slice %arg4[%mul3A_425, %add3A, %dma_start3A_434, %dma_start3A_435] : memref<400x32x8x128xf32, #tpu.memory_space<hbm>> -> memref<8x1x8x128xf32, #tpu.memory_space<hbm>>
      %dma_start3A_437 = tpu.memref_squeeze %dma_start3A_436 : memref<8x1x8x128xf32, #tpu.memory_space<hbm>> -> memref<8x8x128xf32, #tpu.memory_space<hbm>>
      %dma_start3A_438 = arith.constant 0 : i32
      %dma_start3A_439 = arith.constant 0 : i32
      %dma_start3A_440 = arith.constant 0 : i32
      %dma_start3A_441 = tpu.memref_slice %arg11[%dma_start3A_438, %dma_start3A_439, %dma_start3A_440] : memref<8x8x129xf32, #tpu.memory_space<vmem>> -> memref<8x8x128xf32, #tpu.memory_space<vmem>>
      tpu.enqueue_dma source(%dma_start3A_441 : memref<8x8x128xf32, #tpu.memory_space<vmem>>) target(%dma_start3A_437 : memref<8x8x128xf32, #tpu.memory_space<hbm>>) target_semaphore(%arg17 : memref<!tpu.dma_semaphore, #tpu.memory_space<semaphore_mem>>)
    }
    %scan3A_26 = arith.constant 12 : i32
    %dma_wait3A = arith.constant 48 : i32
    %dma_wait3A_27 = arith.constant 0 : i32
    %dma_wait3A_28 = tpu.memref_slice %arg5[%dma_wait3A, %dma_wait3A_27] : memref<50x128xi32, #tpu.memory_space<vmem>> -> memref<1x128xi32, #tpu.memory_space<vmem>>
    %dma_wait3A_29 = tpu.memref_squeeze %dma_wait3A_28 : memref<1x128xi32, #tpu.memory_space<vmem>> -> memref<128xi32, #tpu.memory_space<vmem>>
    %dma_wait3A_30 = arith.constant 0 : i32
    %dma_wait3A_31 = arith.constant 0 : i32
    %dma_wait3A_32 = tpu.memref_slice %arg3[%dma_wait3A_30, %dma_wait3A_31] : memref<100000x64xf32, #tpu.memory_space<hbm>> -> memref<100000x64xf32, #tpu.memory_space<hbm>>
    tpu.wait_indirect_dma semaphore(%arg12 : memref<!tpu.dma_semaphore, #tpu.memory_space<semaphore_mem>>) src(%dma_wait3A_32 : memref<100000x64xf32, #tpu.memory_space<hbm>>) dst(%arg6 : memref<128x64xf32, #tpu.memory_space<vmem>>)
    %dma_wait3A_33 = arith.constant 0 : i32
    %dma_wait3A_34 = arith.constant 0 : i32
    %dma_wait3A_35 = arith.constant 0 : i32
    %dma_wait3A_36 = tpu.memref_slice %arg10[%dma_wait3A_33, %dma_wait3A_34, %dma_wait3A_35] : memref<8x8x129xf32, #tpu.memory_space<vmem>> -> memref<8x8x128xf32, #tpu.memory_space<vmem>>
    %dma_wait3A_37 = arith.constant 368 : i32
    %dma_wait3A_38 = arith.constant 0 : i32
    %dma_wait3A_39 = arith.constant 0 : i32
    %dma_wait3A_40 = tpu.memref_slice %arg4[%dma_wait3A_37, %add3A, %dma_wait3A_38, %dma_wait3A_39] : memref<400x32x8x128xf32, #tpu.memory_space<hbm>> -> memref<8x1x8x128xf32, #tpu.memory_space<hbm>>
    %dma_wait3A_41 = tpu.memref_squeeze %dma_wait3A_40 : memref<8x1x8x128xf32, #tpu.memory_space<hbm>> -> memref<8x8x128xf32, #tpu.memory_space<hbm>>
    %dma_wait3A_42 = arith.constant 368 : i32
    %dma_wait3A_43 = arith.constant 0 : i32
    %dma_wait3A_44 = arith.constant 0 : i32
    %dma_wait3A_45 = tpu.memref_slice %arg4[%dma_wait3A_42, %add3A, %dma_wait3A_43, %dma_wait3A_44] : memref<400x32x8x128xf32, #tpu.memory_space<hbm>> -> memref<8x1x8x128xf32, #tpu.memory_space<hbm>>
    %dma_wait3A_46 = tpu.memref_squeeze %dma_wait3A_45 : memref<8x1x8x128xf32, #tpu.memory_space<hbm>> -> memref<8x8x128xf32, #tpu.memory_space<hbm>>
    %dma_wait3A_47 = arith.constant 0 : i32
    %dma_wait3A_48 = arith.constant 0 : i32
    %dma_wait3A_49 = arith.constant 0 : i32
    %dma_wait3A_50 = tpu.memref_slice %arg10[%dma_wait3A_47, %dma_wait3A_48, %dma_wait3A_49] : memref<8x8x129xf32, #tpu.memory_space<vmem>> -> memref<8x8x128xf32, #tpu.memory_space<vmem>>
    tpu.wait_dma2 semaphore(%arg16 : memref<!tpu.dma_semaphore, #tpu.memory_space<semaphore_mem>>) src(%dma_wait3A_50 : memref<8x8x128xf32, #tpu.memory_space<vmem>>) dst(%dma_wait3A_46 : memref<8x8x128xf32, #tpu.memory_space<hbm>>)
    %iota3A = tpu.iota {dimensions = array<i32: 0>} : vector<16xi32>
    %and3A = arith.constant 7 : i32
    %and3A_51 = vector.broadcast %and3A : i32 to vector<16xi32>
    %and3A_52 = arith.andi %iota3A, %and3A_51 : vector<16xi32>
    %shift_right_logical3A = arith.constant 3 : i32
    %shift_right_logical3A_53 = vector.broadcast %shift_right_logical3A : i32 to vector<16xi32>
    %shift_right_logical3A_54 = arith.shrui %iota3A, %shift_right_logical3A_53 : vector<16xi32>
    %add3A_55 = arith.constant 0 : i32
    %add3A_56 = vector.broadcast %add3A_55 : i32 to vector<16xi32>
    %add3A_57 = arith.addi %shift_right_logical3A_54, %add3A_56 : vector<16xi32>
    %add3A_58 = arith.constant 2 : i32
    %add3A_59 = vector.broadcast %add3A_58 : i32 to vector<16xi32>
    %add3A_60 = arith.addi %shift_right_logical3A_54, %add3A_59 : vector<16xi32>
    %add3A_61 = arith.constant 4 : i32
    %add3A_62 = vector.broadcast %add3A_61 : i32 to vector<16xi32>
    %add3A_63 = arith.addi %shift_right_logical3A_54, %add3A_62 : vector<16xi32>
    %add3A_64 = arith.constant 6 : i32
    %add3A_65 = vector.broadcast %add3A_64 : i32 to vector<16xi32>
    %add3A_66 = arith.addi %shift_right_logical3A_54, %add3A_65 : vector<16xi32>
    %scan3A_67 = arith.constant 0 : i32
    %scan3A_68 = arith.constant 64 : i32
    %scan3A_69 = arith.addi %scan3A_67, %scan3A_68 : i32
    %scan3A_70 = arith.constant 1 : i32
    scf.for %scan3A_193 = %scan3A_67 to %scan3A_69 step %scan3A_70  : i32 {
      %mul3A_194 = arith.constant 2 : i32
      %mul3A_195 = arith.muli %scan3A_193, %mul3A_194 : i32
      %add3A_196 = arith.constant 0 : i32
      %add3A_197 = arith.addi %add3A_196, %mul3A_195 : i32
      %add3A_198 = arith.constant 1 : i32
      %add3A_199 = arith.addi %add3A_197, %add3A_198 : i32
      %get3A = arith.index_cast %add3A_197 : i32 to index
      %get3A_200 = arith.constant 0 : index
      %get3A_201 = tpu.vector_load %arg6[%get3A, %get3A_200] {strides = array<i32>} : memref<128x64xf32, #tpu.memory_space<vmem>>, vector<16xf32>,
      %get3A_202 = arith.index_cast %add3A_197 : i32 to index
      %get3A_203 = arith.constant 16 : index
      %get3A_204 = tpu.vector_load %arg6[%get3A_202, %get3A_203] {strides = array<i32>} : memref<128x64xf32, #tpu.memory_space<vmem>>, vector<16xf32>,
      %get3A_205 = arith.index_cast %add3A_197 : i32 to index
      %get3A_206 = arith.constant 32 : index
      %get3A_207 = tpu.vector_load %arg6[%get3A_205, %get3A_206] {strides = array<i32>} : memref<128x64xf32, #tpu.memory_space<vmem>>, vector<16xf32>,
      %get3A_208 = arith.index_cast %add3A_197 : i32 to index
      %get3A_209 = arith.constant 48 : index
      %get3A_210 = tpu.vector_load %arg6[%get3A_208, %get3A_209] {strides = array<i32>} : memref<128x64xf32, #tpu.memory_space<vmem>>, vector<16xf32>,
      %broadcast_in_dim3A = vector.broadcast %add3A_197 : i32 to vector<16xi32>
      tpu.vector_store_idx %arg10[%add3A_57, %and3A_52, %broadcast_in_dim3A], %get3A_201 : memref<8x8x129xf32, #tpu.memory_space<vmem>>[vector<16xi32>, vector<16xi32>, vector<16xi32>], vector<16xf32>,
      tpu.vector_store_idx %arg10[%add3A_60, %and3A_52, %broadcast_in_dim3A], %get3A_204 : memref<8x8x129xf32, #tpu.memory_space<vmem>>[vector<16xi32>, vector<16xi32>, vector<16xi32>], vector<16xf32>,
      tpu.vector_store_idx %arg10[%add3A_63, %and3A_52, %broadcast_in_dim3A], %get3A_207 : memref<8x8x129xf32, #tpu.memory_space<vmem>>[vector<16xi32>, vector<16xi32>, vector<16xi32>], vector<16xf32>,
      tpu.vector_store_idx %arg10[%add3A_66, %and3A_52, %broadcast_in_dim3A], %get3A_210 : memref<8x8x129xf32, #tpu.memory_space<vmem>>[vector<16xi32>, vector<16xi32>, vector<16xi32>], vector<16xf32>,
      %get3A_211 = arith.index_cast %add3A_199 : i32 to index
      %get3A_212 = arith.constant 0 : index
      %get3A_213 = tpu.vector_load %arg6[%get3A_211, %get3A_212] {strides = array<i32>} : memref<128x64xf32, #tpu.memory_space<vmem>>, vector<16xf32>,
      %get3A_214 = arith.index_cast %add3A_199 : i32 to index
      %get3A_215 = arith.constant 16 : index
      %get3A_216 = tpu.vector_load %arg6[%get3A_214, %get3A_215] {strides = array<i32>} : memref<128x64xf32, #tpu.memory_space<vmem>>, vector<16xf32>,
      %get3A_217 = arith.index_cast %add3A_199 : i32 to index
      %get3A_218 = arith.constant 32 : index
      %get3A_219 = tpu.vector_load %arg6[%get3A_217, %get3A_218] {strides = array<i32>} : memref<128x64xf32, #tpu.memory_space<vmem>>, vector<16xf32>,
      %get3A_220 = arith.index_cast %add3A_199 : i32 to index
      %get3A_221 = arith.constant 48 : index
      %get3A_222 = tpu.vector_load %arg6[%get3A_220, %get3A_221] {strides = array<i32>} : memref<128x64xf32, #tpu.memory_space<vmem>>, vector<16xf32>,
      %broadcast_in_dim3A_223 = vector.broadcast %add3A_199 : i32 to vector<16xi32>
      tpu.vector_store_idx %arg10[%add3A_57, %and3A_52, %broadcast_in_dim3A_223], %get3A_213 : memref<8x8x129xf32, #tpu.memory_space<vmem>>[vector<16xi32>, vector<16xi32>, vector<16xi32>], vector<16xf32>,
      tpu.vector_store_idx %arg10[%add3A_60, %and3A_52, %broadcast_in_dim3A_223], %get3A_216 : memref<8x8x129xf32, #tpu.memory_space<vmem>>[vector<16xi32>, vector<16xi32>, vector<16xi32>], vector<16xf32>,
      tpu.vector_store_idx %arg10[%add3A_63, %and3A_52, %broadcast_in_dim3A_223], %get3A_219 : memref<8x8x129xf32, #tpu.memory_space<vmem>>[vector<16xi32>, vector<16xi32>, vector<16xi32>], vector<16xf32>,
      tpu.vector_store_idx %arg10[%add3A_66, %and3A_52, %broadcast_in_dim3A_223], %get3A_222 : memref<8x8x129xf32, #tpu.memory_space<vmem>>[vector<16xi32>, vector<16xi32>, vector<16xi32>], vector<16xf32>,
    }
    %scan3A_71 = arith.constant 64 : i32
    %dma_start3A_72 = arith.constant 0 : i32
    %dma_start3A_73 = arith.constant 0 : i32
    %dma_start3A_74 = arith.constant 0 : i32
    %dma_start3A_75 = tpu.memref_slice %arg10[%dma_start3A_72, %dma_start3A_73, %dma_start3A_74] : memref<8x8x129xf32, #tpu.memory_space<vmem>> -> memref<8x8x128xf32, #tpu.memory_space<vmem>>
    %dma_start3A_76 = arith.constant 384 : i32
    %dma_start3A_77 = arith.constant 0 : i32
    %dma_start3A_78 = arith.constant 0 : i32
    %dma_start3A_79 = tpu.memref_slice %arg4[%dma_start3A_76, %add3A, %dma_start3A_77, %dma_start3A_78] : memref<400x32x8x128xf32, #tpu.memory_space<hbm>> -> memref<8x1x8x128xf32, #tpu.memory_space<hbm>>
    %dma_start3A_80 = tpu.memref_squeeze %dma_start3A_79 : memref<8x1x8x128xf32, #tpu.memory_space<hbm>> -> memref<8x8x128xf32, #tpu.memory_space<hbm>>
    %dma_start3A_81 = arith.constant 384 : i32
    %dma_start3A_82 = arith.constant 0 : i32
    %dma_start3A_83 = arith.constant 0 : i32
    %dma_start3A_84 = tpu.memref_slice %arg4[%dma_start3A_81, %add3A, %dma_start3A_82, %dma_start3A_83] : memref<400x32x8x128xf32, #tpu.memory_space<hbm>> -> memref<8x1x8x128xf32, #tpu.memory_space<hbm>>
    %dma_start3A_85 = tpu.memref_squeeze %dma_start3A_84 : memref<8x1x8x128xf32, #tpu.memory_space<hbm>> -> memref<8x8x128xf32, #tpu.memory_space<hbm>>
    %dma_start3A_86 = arith.constant 0 : i32
    %dma_start3A_87 = arith.constant 0 : i32
    %dma_start3A_88 = arith.constant 0 : i32
    %dma_start3A_89 = tpu.memref_slice %arg10[%dma_start3A_86, %dma_start3A_87, %dma_start3A_88] : memref<8x8x129xf32, #tpu.memory_space<vmem>> -> memref<8x8x128xf32, #tpu.memory_space<vmem>>
    tpu.enqueue_dma source(%dma_start3A_89 : memref<8x8x128xf32, #tpu.memory_space<vmem>>) target(%dma_start3A_85 : memref<8x8x128xf32, #tpu.memory_space<hbm>>) target_semaphore(%arg16 : memref<!tpu.dma_semaphore, #tpu.memory_space<semaphore_mem>>)
    %dma_wait3A_90 = arith.constant 49 : i32
    %dma_wait3A_91 = arith.constant 0 : i32
    %dma_wait3A_92 = tpu.memref_slice %arg5[%dma_wait3A_90, %dma_wait3A_91] : memref<50x128xi32, #tpu.memory_space<vmem>> -> memref<1x128xi32, #tpu.memory_space<vmem>>
    %dma_wait3A_93 = tpu.memref_squeeze %dma_wait3A_92 : memref<1x128xi32, #tpu.memory_space<vmem>> -> memref<128xi32, #tpu.memory_space<vmem>>
    %dma_wait3A_94 = arith.constant 0 : i32
    %dma_wait3A_95 = arith.constant 0 : i32
    %dma_wait3A_96 = tpu.memref_slice %arg3[%dma_wait3A_94, %dma_wait3A_95] : memref<100000x64xf32, #tpu.memory_space<hbm>> -> memref<100000x64xf32, #tpu.memory_space<hbm>>
    tpu.wait_indirect_dma semaphore(%arg13 : memref<!tpu.dma_semaphore, #tpu.memory_space<semaphore_mem>>) src(%dma_wait3A_96 : memref<100000x64xf32, #tpu.memory_space<hbm>>) dst(%arg7 : memref<128x64xf32, #tpu.memory_space<vmem>>)
    %dma_wait3A_97 = arith.constant 0 : i32
    %dma_wait3A_98 = arith.constant 0 : i32
    %dma_wait3A_99 = arith.constant 0 : i32
    %dma_wait3A_100 = tpu.memref_slice %arg11[%dma_wait3A_97, %dma_wait3A_98, %dma_wait3A_99] : memref<8x8x129xf32, #tpu.memory_space<vmem>> -> memref<8x8x128xf32, #tpu.memory_space<vmem>>
    %dma_wait3A_101 = arith.constant 376 : i32
    %dma_wait3A_102 = arith.constant 0 : i32
    %dma_wait3A_103 = arith.constant 0 : i32
    %dma_wait3A_104 = tpu.memref_slice %arg4[%dma_wait3A_101, %add3A, %dma_wait3A_102, %dma_wait3A_103] : memref<400x32x8x128xf32, #tpu.memory_space<hbm>> -> memref<8x1x8x128xf32, #tpu.memory_space<hbm>>
    %dma_wait3A_105 = tpu.memref_squeeze %dma_wait3A_104 : memref<8x1x8x128xf32, #tpu.memory_space<hbm>> -> memref<8x8x128xf32, #tpu.memory_space<hbm>>
    %dma_wait3A_106 = arith.constant 376 : i32
    %dma_wait3A_107 = arith.constant 0 : i32
    %dma_wait3A_108 = arith.constant 0 : i32
    %dma_wait3A_109 = tpu.memref_slice %arg4[%dma_wait3A_106, %add3A, %dma_wait3A_107, %dma_wait3A_108] : memref<400x32x8x128xf32, #tpu.memory_space<hbm>> -> memref<8x1x8x128xf32, #tpu.memory_space<hbm>>
    %dma_wait3A_110 = tpu.memref_squeeze %dma_wait3A_109 : memref<8x1x8x128xf32, #tpu.memory_space<hbm>> -> memref<8x8x128xf32, #tpu.memory_space<hbm>>
    %dma_wait3A_111 = arith.constant 0 : i32
    %dma_wait3A_112 = arith.constant 0 : i32
    %dma_wait3A_113 = arith.constant 0 : i32
    %dma_wait3A_114 = tpu.memref_slice %arg11[%dma_wait3A_111, %dma_wait3A_112, %dma_wait3A_113] : memref<8x8x129xf32, #tpu.memory_space<vmem>> -> memref<8x8x128xf32, #tpu.memory_space<vmem>>
    tpu.wait_dma2 semaphore(%arg17 : memref<!tpu.dma_semaphore, #tpu.memory_space<semaphore_mem>>) src(%dma_wait3A_114 : memref<8x8x128xf32, #tpu.memory_space<vmem>>) dst(%dma_wait3A_110 : memref<8x8x128xf32, #tpu.memory_space<hbm>>)
    %iota3A_115 = tpu.iota {dimensions = array<i32: 0>} : vector<16xi32>
    %and3A_116 = arith.constant 7 : i32
    %and3A_117 = vector.broadcast %and3A_116 : i32 to vector<16xi32>
    %and3A_118 = arith.andi %iota3A_115, %and3A_117 : vector<16xi32>
    %shift_right_logical3A_119 = arith.constant 3 : i32
    %shift_right_logical3A_120 = vector.broadcast %shift_right_logical3A_119 : i32 to vector<16xi32>
    %shift_right_logical3A_121 = arith.shrui %iota3A_115, %shift_right_logical3A_120 : vector<16xi32>
    %add3A_122 = arith.constant 0 : i32
    %add3A_123 = vector.broadcast %add3A_122 : i32 to vector<16xi32>
    %add3A_124 = arith.addi %shift_right_logical3A_121, %add3A_123 : vector<16xi32>
    %add3A_125 = arith.constant 2 : i32
    %add3A_126 = vector.broadcast %add3A_125 : i32 to vector<16xi32>
    %add3A_127 = arith.addi %shift_right_logical3A_121, %add3A_126 : vector<16xi32>
    %add3A_128 = arith.constant 4 : i32
    %add3A_129 = vector.broadcast %add3A_128 : i32 to vector<16xi32>
    %add3A_130 = arith.addi %shift_right_logical3A_121, %add3A_129 : vector<16xi32>
    %add3A_131 = arith.constant 6 : i32
    %add3A_132 = vector.broadcast %add3A_131 : i32 to vector<16xi32>
    %add3A_133 = arith.addi %shift_right_logical3A_121, %add3A_132 : vector<16xi32>
    %scan3A_134 = arith.constant 0 : i32
    %scan3A_135 = arith.constant 64 : i32
    %scan3A_136 = arith.addi %scan3A_134, %scan3A_135 : i32
    %scan3A_137 = arith.constant 1 : i32
    scf.for %scan3A_193 = %scan3A_134 to %scan3A_136 step %scan3A_137  : i32 {
      %mul3A_194 = arith.constant 2 : i32
      %mul3A_195 = arith.muli %scan3A_193, %mul3A_194 : i32
      %add3A_196 = arith.constant 0 : i32
      %add3A_197 = arith.addi %add3A_196, %mul3A_195 : i32
      %add3A_198 = arith.constant 1 : i32
      %add3A_199 = arith.addi %add3A_197, %add3A_198 : i32
      %get3A = arith.index_cast %add3A_197 : i32 to index
      %get3A_200 = arith.constant 0 : index
      %get3A_201 = tpu.vector_load %arg7[%get3A, %get3A_200] {strides = array<i32>} : memref<128x64xf32, #tpu.memory_space<vmem>>, vector<16xf32>,
      %get3A_202 = arith.index_cast %add3A_197 : i32 to index
      %get3A_203 = arith.constant 16 : index
      %get3A_204 = tpu.vector_load %arg7[%get3A_202, %get3A_203] {strides = array<i32>} : memref<128x64xf32, #tpu.memory_space<vmem>>, vector<16xf32>,
      %get3A_205 = arith.index_cast %add3A_197 : i32 to index
      %get3A_206 = arith.constant 32 : index
      %get3A_207 = tpu.vector_load %arg7[%get3A_205, %get3A_206] {strides = array<i32>} : memref<128x64xf32, #tpu.memory_space<vmem>>, vector<16xf32>,
      %get3A_208 = arith.index_cast %add3A_197 : i32 to index
      %get3A_209 = arith.constant 48 : index
      %get3A_210 = tpu.vector_load %arg7[%get3A_208, %get3A_209] {strides = array<i32>} : memref<128x64xf32, #tpu.memory_space<vmem>>, vector<16xf32>,
      %broadcast_in_dim3A = vector.broadcast %add3A_197 : i32 to vector<16xi32>
      tpu.vector_store_idx %arg11[%add3A_124, %and3A_118, %broadcast_in_dim3A], %get3A_201 : memref<8x8x129xf32, #tpu.memory_space<vmem>>[vector<16xi32>, vector<16xi32>, vector<16xi32>], vector<16xf32>,
      tpu.vector_store_idx %arg11[%add3A_127, %and3A_118, %broadcast_in_dim3A], %get3A_204 : memref<8x8x129xf32, #tpu.memory_space<vmem>>[vector<16xi32>, vector<16xi32>, vector<16xi32>], vector<16xf32>,
      tpu.vector_store_idx %arg11[%add3A_130, %and3A_118, %broadcast_in_dim3A], %get3A_207 : memref<8x8x129xf32, #tpu.memory_space<vmem>>[vector<16xi32>, vector<16xi32>, vector<16xi32>], vector<16xf32>,
      tpu.vector_store_idx %arg11[%add3A_133, %and3A_118, %broadcast_in_dim3A], %get3A_210 : memref<8x8x129xf32, #tpu.memory_space<vmem>>[vector<16xi32>, vector<16xi32>, vector<16xi32>], vector<16xf32>,
      %get3A_211 = arith.index_cast %add3A_199 : i32 to index
      %get3A_212 = arith.constant 0 : index
      %get3A_213 = tpu.vector_load %arg7[%get3A_211, %get3A_212] {strides = array<i32>} : memref<128x64xf32, #tpu.memory_space<vmem>>, vector<16xf32>,
      %get3A_214 = arith.index_cast %add3A_199 : i32 to index
      %get3A_215 = arith.constant 16 : index
      %get3A_216 = tpu.vector_load %arg7[%get3A_214, %get3A_215] {strides = array<i32>} : memref<128x64xf32, #tpu.memory_space<vmem>>, vector<16xf32>,
      %get3A_217 = arith.index_cast %add3A_199 : i32 to index
      %get3A_218 = arith.constant 32 : index
      %get3A_219 = tpu.vector_load %arg7[%get3A_217, %get3A_218] {strides = array<i32>} : memref<128x64xf32, #tpu.memory_space<vmem>>, vector<16xf32>,
      %get3A_220 = arith.index_cast %add3A_199 : i32 to index
      %get3A_221 = arith.constant 48 : index
      %get3A_222 = tpu.vector_load %arg7[%get3A_220, %get3A_221] {strides = array<i32>} : memref<128x64xf32, #tpu.memory_space<vmem>>, vector<16xf32>,
      %broadcast_in_dim3A_223 = vector.broadcast %add3A_199 : i32 to vector<16xi32>
      tpu.vector_store_idx %arg11[%add3A_124, %and3A_118, %broadcast_in_dim3A_223], %get3A_213 : memref<8x8x129xf32, #tpu.memory_space<vmem>>[vector<16xi32>, vector<16xi32>, vector<16xi32>], vector<16xf32>,
      tpu.vector_store_idx %arg11[%add3A_127, %and3A_118, %broadcast_in_dim3A_223], %get3A_216 : memref<8x8x129xf32, #tpu.memory_space<vmem>>[vector<16xi32>, vector<16xi32>, vector<16xi32>], vector<16xf32>,
      tpu.vector_store_idx %arg11[%add3A_130, %and3A_118, %broadcast_in_dim3A_223], %get3A_219 : memref<8x8x129xf32, #tpu.memory_space<vmem>>[vector<16xi32>, vector<16xi32>, vector<16xi32>], vector<16xf32>,
      tpu.vector_store_idx %arg11[%add3A_133, %and3A_118, %broadcast_in_dim3A_223], %get3A_222 : memref<8x8x129xf32, #tpu.memory_space<vmem>>[vector<16xi32>, vector<16xi32>, vector<16xi32>], vector<16xf32>,
    }
    %scan3A_138 = arith.constant 64 : i32
    %dma_start3A_139 = arith.constant 0 : i32
    %dma_start3A_140 = arith.constant 0 : i32
    %dma_start3A_141 = arith.constant 0 : i32
    %dma_start3A_142 = tpu.memref_slice %arg11[%dma_start3A_139, %dma_start3A_140, %dma_start3A_141] : memref<8x8x129xf32, #tpu.memory_space<vmem>> -> memref<8x8x128xf32, #tpu.memory_space<vmem>>
    %dma_start3A_143 = arith.constant 392 : i32
    %dma_start3A_144 = arith.constant 0 : i32
    %dma_start3A_145 = arith.constant 0 : i32
    %dma_start3A_146 = tpu.memref_slice %arg4[%dma_start3A_143, %add3A, %dma_start3A_144, %dma_start3A_145] : memref<400x32x8x128xf32, #tpu.memory_space<hbm>> -> memref<8x1x8x128xf32, #tpu.memory_space<hbm>>
    %dma_start3A_147 = tpu.memref_squeeze %dma_start3A_146 : memref<8x1x8x128xf32, #tpu.memory_space<hbm>> -> memref<8x8x128xf32, #tpu.memory_space<hbm>>
    %dma_start3A_148 = arith.constant 392 : i32
    %dma_start3A_149 = arith.constant 0 : i32
    %dma_start3A_150 = arith.constant 0 : i32
    %dma_start3A_151 = tpu.memref_slice %arg4[%dma_start3A_148, %add3A, %dma_start3A_149, %dma_start3A_150] : memref<400x32x8x128xf32, #tpu.memory_space<hbm>> -> memref<8x1x8x128xf32, #tpu.memory_space<hbm>>
    %dma_start3A_152 = tpu.memref_squeeze %dma_start3A_151 : memref<8x1x8x128xf32, #tpu.memory_space<hbm>> -> memref<8x8x128xf32, #tpu.memory_space<hbm>>
    %dma_start3A_153 = arith.constant 0 : i32
    %dma_start3A_154 = arith.constant 0 : i32
    %dma_start3A_155 = arith.constant 0 : i32
    %dma_start3A_156 = tpu.memref_slice %arg11[%dma_start3A_153, %dma_start3A_154, %dma_start3A_155] : memref<8x8x129xf32, #tpu.memory_space<vmem>> -> memref<8x8x128xf32, #tpu.memory_space<vmem>>
    tpu.enqueue_dma source(%dma_start3A_156 : memref<8x8x128xf32, #tpu.memory_space<vmem>>) target(%dma_start3A_152 : memref<8x8x128xf32, #tpu.memory_space<hbm>>) target_semaphore(%arg17 : memref<!tpu.dma_semaphore, #tpu.memory_space<semaphore_mem>>)
    %dma_wait3A_157 = arith.constant 0 : i32
    %dma_wait3A_158 = arith.constant 0 : i32
    %dma_wait3A_159 = arith.constant 0 : i32
    %dma_wait3A_160 = tpu.memref_slice %arg10[%dma_wait3A_157, %dma_wait3A_158, %dma_wait3A_159] : memref<8x8x129xf32, #tpu.memory_space<vmem>> -> memref<8x8x128xf32, #tpu.memory_space<vmem>>
    %dma_wait3A_161 = arith.constant 384 : i32
    %dma_wait3A_162 = arith.constant 0 : i32
    %dma_wait3A_163 = arith.constant 0 : i32
    %dma_wait3A_164 = tpu.memref_slice %arg4[%dma_wait3A_161, %add3A, %dma_wait3A_162, %dma_wait3A_163] : memref<400x32x8x128xf32, #tpu.memory_space<hbm>> -> memref<8x1x8x128xf32, #tpu.memory_space<hbm>>
    %dma_wait3A_165 = tpu.memref_squeeze %dma_wait3A_164 : memref<8x1x8x128xf32, #tpu.memory_space<hbm>> -> memref<8x8x128xf32, #tpu.memory_space<hbm>>
    %dma_wait3A_166 = arith.constant 384 : i32
    %dma_wait3A_167 = arith.constant 0 : i32
    %dma_wait3A_168 = arith.constant 0 : i32
    %dma_wait3A_169 = tpu.memref_slice %arg4[%dma_wait3A_166, %add3A, %dma_wait3A_167, %dma_wait3A_168] : memref<400x32x8x128xf32, #tpu.memory_space<hbm>> -> memref<8x1x8x128xf32, #tpu.memory_space<hbm>>
    %dma_wait3A_170 = tpu.memref_squeeze %dma_wait3A_169 : memref<8x1x8x128xf32, #tpu.memory_space<hbm>> -> memref<8x8x128xf32, #tpu.memory_space<hbm>>
    %dma_wait3A_171 = arith.constant 0 : i32
    %dma_wait3A_172 = arith.constant 0 : i32
    %dma_wait3A_173 = arith.constant 0 : i32
    %dma_wait3A_174 = tpu.memref_slice %arg10[%dma_wait3A_171, %dma_wait3A_172, %dma_wait3A_173] : memref<8x8x129xf32, #tpu.memory_space<vmem>> -> memref<8x8x128xf32, #tpu.memory_space<vmem>>
    tpu.wait_dma2 semaphore(%arg16 : memref<!tpu.dma_semaphore, #tpu.memory_space<semaphore_mem>>) src(%dma_wait3A_174 : memref<8x8x128xf32, #tpu.memory_space<vmem>>) dst(%dma_wait3A_170 : memref<8x8x128xf32, #tpu.memory_space<hbm>>)
    %dma_wait3A_175 = arith.constant 0 : i32
    %dma_wait3A_176 = arith.constant 0 : i32
    %dma_wait3A_177 = arith.constant 0 : i32
    %dma_wait3A_178 = tpu.memref_slice %arg11[%dma_wait3A_175, %dma_wait3A_176, %dma_wait3A_177] : memref<8x8x129xf32, #tpu.memory_space<vmem>> -> memref<8x8x128xf32, #tpu.memory_space<vmem>>
    %dma_wait3A_179 = arith.constant 392 : i32
    %dma_wait3A_180 = arith.constant 0 : i32
    %dma_wait3A_181 = arith.constant 0 : i32
    %dma_wait3A_182 = tpu.memref_slice %arg4[%dma_wait3A_179, %add3A, %dma_wait3A_180, %dma_wait3A_181] : memref<400x32x8x128xf32, #tpu.memory_space<hbm>> -> memref<8x1x8x128xf32, #tpu.memory_space<hbm>>
    %dma_wait3A_183 = tpu.memref_squeeze %dma_wait3A_182 : memref<8x1x8x128xf32, #tpu.memory_space<hbm>> -> memref<8x8x128xf32, #tpu.memory_space<hbm>>
    %dma_wait3A_184 = arith.constant 392 : i32
    %dma_wait3A_185 = arith.constant 0 : i32
    %dma_wait3A_186 = arith.constant 0 : i32
    %dma_wait3A_187 = tpu.memref_slice %arg4[%dma_wait3A_184, %add3A, %dma_wait3A_185, %dma_wait3A_186] : memref<400x32x8x128xf32, #tpu.memory_space<hbm>> -> memref<8x1x8x128xf32, #tpu.memory_space<hbm>>
    %dma_wait3A_188 = tpu.memref_squeeze %dma_wait3A_187 : memref<8x1x8x128xf32, #tpu.memory_space<hbm>> -> memref<8x8x128xf32, #tpu.memory_space<hbm>>
    %dma_wait3A_189 = arith.constant 0 : i32
    %dma_wait3A_190 = arith.constant 0 : i32
    %dma_wait3A_191 = arith.constant 0 : i32
    %dma_wait3A_192 = tpu.memref_slice %arg11[%dma_wait3A_189, %dma_wait3A_190, %dma_wait3A_191] : memref<8x8x129xf32, #tpu.memory_space<vmem>> -> memref<8x8x128xf32, #tpu.memory_space<vmem>>
    tpu.wait_dma2 semaphore(%arg17 : memref<!tpu.dma_semaphore, #tpu.memory_space<semaphore_mem>>) src(%dma_wait3A_192 : memref<8x8x128xf32, #tpu.memory_space<vmem>>) dst(%dma_wait3A_188 : memref<8x8x128xf32, #tpu.memory_space<hbm>>)
    return
  }
}

</mosaic_0001>

<sc_bundles>
// kernel: _sc_gather.3.cloned.1.call-start
scs
__scs_entry_jumppad:
0x0: {  	(pc) =	sbr.rel $0x88, $3  }
0x1: {  	(tag) =	ssettag $0x0;
	lr =	simm.s32 $0x1  }
0x2: {  	[smem:$0x3F9F] =	sst lr;
	_ =	strace $0xD0000000  }
0x3: {  	_ = 	snop  }
0x4: {  	_ = 	snop  }
0x5: {  	_ = 	snop  }
0x6: {  	_ = 	snop  }
0x7: {  	_ = 	snop  }
__scs_overlays_trampoline_lowered:
0x8: {  	[smem:$0x3FAE] =	sst s0  }
0x9: {  	[smem:$0x3FAF] =	sst s1  }
0xa: {  	[smem:$0x3FB0] =	sst s2  }
0xb: {  	[smem:$0x3FB1] =	sst s3  }
0xc: {  	[smem:$0x3FB2] =	sst s4  }
0xd: {  	[smem:$0x3FB3] =	sst s5  }
0xe: {  	[smem:$0x3FB4] =	sst s6  }
0xf: {  	[smem:$0x3FB5] =	sst s7  }
0x10: {  	[smem:$0x3FB6] =	sst s8  }
0x11: {  	[smem:$0x3FB7] =	sst s9;
	s0 =	simm.s32 @!p0 $0x0  }
0x12: {  	s1 =	sld [smem:$0x3F9D];
	s0 =	simm.s32 @p0 $0x1  }
0x13: {  	[smem:$0x3FB8] =	sst s0;
	s0 =	simm.s32 @!p1 $0x0  }
0x14: {  	s2 =	sld [smem:$0x3F9C];
	s0 =	simm.s32 @p1 $0x1  }
0x15: {  	[smem:$0x3FB9] =	sst s0;
	s0 =	simm.s32 @!p2 $0x0  }
0x16: {  	s3 =	sld [smem:$0x3FDB];
	s0 =	simm.s32 @p2 $0x1  }
0x17: {  	s4 =	simm.s32 $0x1BF5;
	[smem:$0x3FBB] =	sst s0  }
0x18: {  	s0 =	sld [smem:$0x3F9E];
	_ =	swait.ge [sflag:s4], $0x0  }
0x19: {  	s7 =	sld [smem:$0x3F9F]  }
0x1a: {  	s8 =	sadd.s32 $0xFFFFE003, lr  }
0x1b: {  	s9 =	sadd.s32 $0xFFFFFEF7, lr;
	s5 =	simm.s32 $0xFFFFFFFF;
	p2 =	slt.u32 s8, $0xFFFFF086  }
0x1c: {  	p1 =	slt.u32 s9, $0xF7A;
	s5 =	simm.s32 @!p2 $0x0  }
0x1d: {  	s5 =	simm.s32 @p1 $0x1;
	p0 =	seq.s32 s7, s2  }
0x1e: {  	s7 =	smul.u32 @!p0 $0xF7A, s2;
	p2 =	seq.s32 @!p0 s5, $0x0  }
0x1f: {  	s9 =	smul.u32 $0xF7A, s1;
	s8 =	simm.s32 @!p0 $0x1BF5;
	p2 =	por !p2, p0  }
0x20: {  	[sflag:s8] =	ssyncset.s32 @!p0 $0xFFFFF086;
	s6 =	sadd.s32 @!p0 s3, s7;
	s7 =	simm.s32 @!p0 $0x108  }
0x21: {  	s3 =	sadd.s32 s3, s9;
	s6 =	sadd.s32 @!p0 $0x88, s6;
	s7 =	simm.s32 @p2 $0x1082  }
0x22: {  	[simem:s7], [sflag:s8] =	dma.local @!p0 [hbm:s6], $0xF7A  }
0x23: {  	s9 =	sor.u32 $0xD0000000, s2;
	s6 =	simm.s32 $0x108;
	_ =	swait.ge @!p0 [sflag:s8], $0x0  }
0x24: {  	s3 =	sadd.s32 $0x88, s3;
	s6 =	simm.s32 @!p1 $0x1082;
	[sflag:s4] =	ssyncset.s32 $0xFFFFF086  }
0x25: {  	[simem:s6], [sflag:s4] =	dma.local [hbm:s3], $0xF7A  }
0x26: {  	[smem:$0x3F9F] =	sst s1;
	(tag) =	ssettag s2;
	_ =	strace s9  }
0x27: {  	s1 =	sld [smem:$0x3FAF]  }
0x28: {  	s2 =	sld [smem:$0x3FB0]  }
0x29: {  	s4 =	sld [smem:$0x3FB2]  }
0x2a: {  	p0 =	seq.s32 s5, $0x0;
	s5 =	sld [smem:$0x3FB3]  }
0x2b: {  	s6 =	sld [smem:$0x3FB4]  }
0x2c: {  	s7 =	sld [smem:$0x3FB5]  }
0x2d: {  	s3 =	simm.s32 $0x108;
	s8 =	sld [smem:$0x3FB6]  }
0x2e: {  	s3 =	simm.s32 @!p0 $0x1082;
	s9 =	sld [smem:$0x3FB7]  }
0x2f: {  	lr =	sadd.s32 s0, s3;
	s0 =	sld [smem:$0x3FAE]  }
0x30: {  	s3 =	sld [smem:$0x3FB1]  }
0x31: {  	[smem:$0x3FBA] =	sst s10  }
0x32: {  	s10 =	sld [smem:$0x3FB8];
	_ =	sdelay $0x3  }
0x33: {  	p0 =	seq.s32 s10, $0x1;
	s10 =	sld [smem:$0x3FBA];
	_ =	sdelay $0x3  }
0x34: {  	[smem:$0x3FBA] =	sst s10  }
0x35: {  	s10 =	sld [smem:$0x3FB9];
	_ =	sdelay $0x3  }
0x36: {  	p1 =	seq.s32 s10, $0x1;
	s10 =	sld [smem:$0x3FBA];
	_ =	sdelay $0x3  }
0x37: {  	[smem:$0x3FBA] =	sst s10  }
0x38: {  	s10 =	sld [smem:$0x3FBB]  }
0x39: {  	_ = 	snop;
	(pc) =	sbr.ind lr, $3  }
0x3a: {  	_ = 	snop  }
0x3b: {  	_ = 	snop  }
0x3c: {  	p2 =	seq.s32 s10, $0x1;
	s10 =	sld [smem:$0x3FBA]  }
0x3d: {  	_ =	shalt  }
0x3e: {  	_ =	shalt  }
0x3f: {  	_ =	shalt  }
0x40: {  	_ =	shalt  }
0x41: {  	_ =	shalt  }
0x42: {  	_ =	shalt  }
0x43: {  	_ =	shalt  }
0x44: {  	_ =	shalt  }
0x45: {  	_ =	shalt  }
0x46: {  	_ =	shalt  }
0x47: {  	_ =	shalt  }
0x48: {  	_ =	shalt  }
0x49: {  	_ =	shalt  }
0x4a: {  	_ =	shalt  }
0x4b: {  	_ =	shalt  }
0x4c: {  	_ =	shalt  }
0x4d: {  	_ =	shalt  }
0x4e: {  	_ =	shalt  }
0x4f: {  	_ =	shalt  }
0x50: {  	_ =	shalt  }
0x51: {  	_ =	shalt  }
0x52: {  	_ =	shalt  }
0x53: {  	_ =	shalt  }
0x54: {  	_ =	shalt  }
0x55: {  	_ =	shalt  }
0x56: {  	_ =	shalt  }
0x57: {  	_ =	shalt  }
0x58: {  	_ =	shalt  }
0x59: {  	_ =	shalt  }
0x5a: {  	_ =	shalt  }
0x5b: {  	_ =	shalt  }
0x5c: {  	_ =	shalt  }
0x5d: {  	_ =	shalt  }
0x5e: {  	_ =	shalt  }
0x5f: {  	_ =	shalt  }
0x60: {  	_ =	shalt  }
0x61: {  	_ =	shalt  }
0x62: {  	_ =	shalt  }
0x63: {  	_ =	shalt  }
0x64: {  	_ =	shalt  }
0x65: {  	_ =	shalt  }
0x66: {  	_ =	shalt  }
0x67: {  	_ =	shalt  }
0x68: {  	_ =	shalt  }
0x69: {  	_ =	shalt  }
0x6a: {  	_ =	shalt  }
0x6b: {  	_ =	shalt  }
0x6c: {  	_ =	shalt  }
0x6d: {  	_ =	shalt  }
0x6e: {  	_ =	shalt  }
0x6f: {  	_ =	shalt  }
0x70: {  	_ =	shalt  }
0x71: {  	_ =	shalt  }
0x72: {  	_ =	shalt  }
0x73: {  	_ =	shalt  }
0x74: {  	_ =	shalt  }
0x75: {  	_ =	shalt  }
0x76: {  	_ =	shalt  }
0x77: {  	_ =	shalt  }
0x78: {  	_ =	shalt  }
0x79: {  	_ =	shalt  }
0x7a: {  	_ =	shalt  }
0x7b: {  	_ =	shalt  }
0x7c: {  	_ =	shalt  }
0x7d: {  	_ =	shalt  }
0x7e: {  	_ =	shalt  }
0x7f: {  	_ =	shalt  }
0x80: {  	_ =	shalt  }
0x81: {  	_ =	shalt  }
0x82: {  	_ =	shalt  }
0x83: {  	_ =	shalt  }
0x84: {  	_ =	shalt  }
0x85: {  	_ =	shalt  }
0x86: {  	_ =	shalt  }
0x87: {  	_ =	shalt  }
.Lfunc_end0:
.L_simem_size_0:
called_computation_lowered:
.L_overlay_start_0:
0x88: {  	s2 =	sld [smem:$0x3FD9]  }
0x89: {  	s3 =	sld [smem:$0x3FFE];
	_ =	sdelay $0x1  }
0x8a: {  	s1 =	srdreg.scid  }
0x8b: {  	s0 =	sand.u32 $0x1, s1  }
0x8c: {  	s17 =	sshll.u32 s0, $0xA;
	s2 =	sadd.s32 s3, s2  }
0x8d: {  	s2 =	sadd.s32 s2, s17  }
0x8e: {  	[smem:$0x3FC6] =	sst s2  }
0x8f: {  	_ = 	snop  }
0x90: {  	s2 =	sld [smem:$0x3FD0];
	(tm) =	ssettm $0x1  }
0x91: {  	s18 =	sld [smem:$0x3FFB];
	_ =	sdelay $0x3  }
0x92: {  	_ =	strace s18  }
0x93: {  	s3 =	sld [smem:$0x3FFC];
	_ =	sdelay $0x3  }
0x94: {  	_ =	strace s3  }
0x95: {  	s3 =	sld [smem:$0x3FFD];
	_ =	sdelay $0x3  }
0x96: {  	_ =	strace s3  }
0x97: {  	_ =	strace $0x8FFFFFFF  }
0x98: {  	s19 =	sld [smem:$0x3FDB];
	_ =	sdelay $0x1  }
0x99: {  	s4 =	simm.s32 $_scs_section_size  }
0x9a: {  	s5 =	simm.s32 $_size__tile_overlayer_lowered;
	s6 =	simm.s32 $_tile_overlayer_lowered  }
0x9b: {  	s22 =	simm.s32 $0x1BFF;
	s21 =	sshll.u32 s6, $0x1;
	s3 =	sadd.s32 s4, s19  }
0x9c: {  	s7 =	simm.s32 $0x0;
	s20 =	sshll.u32 s5, $0x1;
	s5 =	sadd.s32 s21, s3  }
0x9d: {  	[timem:s7], [sflag:s22] =	dma.local [hbm:s5], s20  }
0x9e: {  	_ =	swait.ge [sflag:s22], s20  }
0x9f: {  	s4 =	ssub.s32 $0x0, s20;
	[sflag:s22] =	ssyncset.done $0x0  }
0xa0: {  	[sflag:s22] =	ssyncadd.s32 s4;
	_ =	sdelay $0x1  }
0xa1: {  	s23 =	simm.s32 $0x1B8B  }
0xa2: {  	_ =	swait.ge [sflag:s23], $0x1  }
0xa3: {  	[sflag:s23] =	ssyncset.done $0x0  }
0xa4: {  	s25 =	simm.s32 $0x1B8E;
	s24 =	sld [smem:$0x3FFE];
	[sflag:s23] =	ssyncadd.s32 $0xFFFFFFFF  }
0xa5: {  	s26 =	simm.s32 $execute0_lowered;
	[smem:$0x3FD2] =	sst s25  }
0xa6: {  	s5 =	sshll.u32 s26, $0x1;
	_ =	strace $0x80000046;
	[dreg:$0x1] =	wrdreg $0xFFFFFFFF  }
0xa7: {  	s28 =	simm.s32 $_size_execute0_lowered;
	s3 =	sadd.s32 s3, s5;
	[dreg:$0x0] =	wrdreg $0x0  }
0xa8: {  	s5 =	sshll.u32 s28, $0x1;
	[dreg:$0x2] =	wrdreg s3  }
0xa9: {  	[dreg:$0x3] =	wrdreg s5  }
0xaa: {  	[dreg:$0x4] =	wrdreg $0xC0  }
0xab: {  	_ =	task [dreg:s7], $0x5FFFF  }
0xac: {  	[dreg:$0x1] =	wrdreg $0xFFFFFFFF  }
0xad: {  	[dreg:$0x0] =	wrdreg $0x60  }
0xae: {  	[dreg:$0x2] =	wrdreg s24  }
0xaf: {  	[dreg:$0x3] =	wrdreg s2  }
0xb0: {  	[dreg:$0x4] =	wrdreg $0x9  }
0xb1: {  	_ =	task.clear_ibuf [dreg:s7], $0x5FFFF;
	_ =	strace $0x90000046  }
0xb2: {  	s29 =	simm.s32 $0x9;
	_ =	strace $0x80000048  }
0xb3: {  	_ =	swait.ge [sflag:s29], $0x1  }
0xb4: {  	[sflag:s29] =	ssyncadd.s32 $0xFFFFFFFF  }
0xb5: {  	_ =	strace $0x90000048  }
0xb6: {  	_ =	sfence  }
0xb7: {  	s30 =	sld [smem:$0x0];
	_ =	sdelay $0x2  }
0xb8: {  	s31 =	sshll.u32 s1, $0xD;
	s1 =	sshrl.u32 s1, $0x2  }
0xb9: {  	s3 =	sand.u32 $0x4000, s31;
	s1 =	sadd.s32 s1, s30  }
0xba: {  	s0 =	sor.u32 s3, s0;
	s1 =	sshll.u32 s1, $0x11  }
0xbb: {  	s0 =	sor.u32 s1, s0  }
0xbc: {  	s0 =	sadd.s32 $0x8F2B, s0  }
0xbd: {  	[sflag:s0] =	ssyncadd.remote.s32 $0x1  }
0xbe: {  	_ =	sfence.sel $0xFFFF  }
0xbf: {  	[dreg:$0x0] =	wrdreg $0xFFFFFFFF;
	(pc) =	sbr.abs _section_cstart, $3  }
0xc0: {  	[dreg:$0x1] =	wrdreg $0xFFFFFFFF  }
0xc1: {  	_ =	task.clear_ibuf [dreg:s7], $0x2FFFF;
	_ =	strace $0x9FFFFFFF  }
0xc2: {  	(tm) =	ssettm $0x7FFFFFFF  }
0xc3: {  	_ =	shalt  }
tec
execute0_lowered:
.L_overlay_start_1:
0x0: {  	(tag) =	ssettag $0x1  }
0x1: {  	s0 =	rddreg [dreg:$0x0]  }
0x2: {  	s2 =	rddreg [dreg:$0x1]  }
0x3: {  	s1 =	srdreg.scid;
	s4 =	stileid.u32  }
0x4: {  	s3 =	simm.s32 $0x0;
	s12 =	simm.s32 $0x80;
	s15 =	simm.s32 $0x1900  }
0x5: {  	s16 =	simm.s32 $0x3900;
	s19 =	simm.s32 $0x1;
	s20 =	simm.s32 $0x7900  }
0x6: {  	s21 =	simm.s32 $0x9900;
	s22 =	simm.s32 $0x2;
	s23 =	simm.s32 $0xBB00  }
0x7: {  	s24 =	simm.s32 $0x3;
	s25 =	simm.s32 $0x5;
	s28 =	simm.s32 $0x6  }
0x8: {  	s29 =	simm.s32 $0x0;
	s1 =	sand.u32 $0x1, s1;
	s4 =	sshll.u32 s4, $0x1  }
0x9: {  	[smem:$0x7FF] =	sst s3;
	s7 =	sadd.s32 $0x8000, s2;
	s8 =	sadd.s32 $0x10000, s2  }
0xa: {  	s5 =	sor.u32 s1, s4;
	_ =	strace $0x80000047;
	s1 =	ssub.s32 $0x2, s1  }
0xb: {  	s4 =	sshll.u32 s5, $0x4;
	s26 =	sshrl.u32 s1, $0x1;
	s31 =	sshll.u32 s5, $0x7  }
0xc: {  	v0 =	vlaneseq.u32;
	s6 =	sadd.s32 s4, s0;
	s4 =	sadd.s32 $0x6800, s0;
	s0 =	ssub.s32 s1, s26  }
0xd: {  	v0 =	vmul.u32 $0x88, v0;
	s1 =	sadd.s32 s31, s2;
	s26 =	simm.s32 $0x4;
	s30 =	sadd.s32 $0x400, s6  }
0xe: {  	s6 =	sshll.u32 s5, $0xA;
	s0 =	smax.u32 s0, $0x1;
	[dreg:$0x3] =	wrdreg s30  }
0xf: {  	v1 =	vadd.s32 $0x880, v0;
	v2 =	vadd.s32 $0x1100, v0;
	v3 =	vadd.s32 $0x1980, v0;
	s9 =	sadd.s32 $0x180000, s1;
	s10 =	sadd.s32 $0x188000, s1;
	[dreg:$0x4] =	wrdreg s0  }
.LBB2_1:
0x10: {  	s0 =	rddreg [dreg:$0x3];
	s1 =	simm.s32 $0x1000;
	s17 =	simm.s32 $0x7  }
0x11: {  	[tilespmem:s3], [sflag:$0x7] =	stream.strided.gather [hbm4b:s0+s12], $0x1900, s1, s12, $0x38;
	[tilespmem:$0xDD00] =	vst v63  }
0x12: {  	_ =	swait.ge [sflag:s17], $0x1900  }
0x13: {  	[sflag:s17] =	ssyncset.done $0x0  }
0x14: {  	[sflag:s17] =	ssyncadd.s32 $0xFFFFE700  }
0x15: {  	[tilespmem:s15], [sflag:$0x1] =	stream.indirect.gather [hbm4b:s4+s12], $0x40, s3, s12, $0xb8;
	[tilespmem:$0xDD00] =	vst v63  }
0x16: {  	_ = 	snop  }
0x17: {  	[tilespmem:s16], [sflag:$0x2] =	stream.indirect.gather [hbm4b:s4+s12], $0x40, s12, s12, $0xb8;
	[tilespmem:$0xDD00] =	vst v63  }
0x18: {  	s18 =	simm.s32 $0x100;
	s31 =	simm.s32 $0x5900;
	s30 =	simm.s32 $0x0  }
0x19: {  	[tilespmem:s31], [sflag:$0x3] =	stream.indirect.gather [hbm4b:s4+s12], $0x40, s18, s12, $0xb8;
	[tilespmem:$0xDD00] =	vst v63  }
.LBB2_2:
0x1a: {  	_ =	swait.ge [sflag:s19], $0x2000;
	s31 =	sshllo.u32 s30, $0x2  }
0x1b: {  	[sflag:s19] =	ssyncset.done $0x0;
	s0 =	sshll.u32 s31, $0x7  }
0x1c: {  	p0 =	seq.s32 s30, $0x0;
	[sflag:s19] =	ssyncadd.s32 $0xFFFFE000;
	s0 =	sand.u32 $0x3FFFFF80, s0  }
0x1d: {  	[tilespmem:s20], [sflag:$0x4] =	stream.indirect.gather [hbm4b:s4+s12], $0x40, s0, s12, $0xb8;
	[tilespmem:$0xDD00] =	vst v63  }
0x1e: {  	s0 =	simm.s32 @!p0 $0x5  }
0x1f: {  	s1 =	simm.s32 $0x0;
	_ =	swait.ge @!p0 [sflag:s0], $0x2000  }
0x20: {  	v4 =	vmov s1;
	[sflag:s0] =	ssyncset.done @!p0 $0x0  }
0x21: {  	v4 =	vand.u32 $0x7E, v4;
	[sflag:s0] =	ssyncadd.s32 @!p0 $0xFFFFE000;
	s0 =	simm.s32 $0x1940  }
0x22: {  	v6 =	vadd.s32 v0, v4;
	v5 =	vld [tilespmem:s0+$0xFFFFFFC0]  }
0x23: {  	v8 =	vadd.s32 v1, v4;
	v7 =	vld [tilespmem:s0+$0xFFFFFFD0]  }
0x24: {  	v10 =	vadd.s32 v2, v4;
	v9 =	vld [tilespmem:s0+$0xFFFFFFE0]  }
0x25: {  	v4 =	vadd.s32 v3, v4;
	v11 =	vld [tilespmem:s0+$0xFFFFFFF0];
	_ =	sdelay $0x1  }
0x26: {  	[tilespmem:v6+s21+$0x0] =	vst.idx.msk $0xffff, v5  }
0x27: {  	s18 =	simm.s32 $0x1;
	[tilespmem:v8+s21+$0x0] =	vst.idx.msk $0xffff, v7  }
0x28: {  	v5 =	vmov s18;
	[tilespmem:v10+s21+$0x0] =	vst.idx.msk $0xffff, v9  }
0x29: {  	v5 =	vand.u32 $0x7F, v5;
	[tilespmem:v4+s21+$0x0] =	vst.idx.msk $0xffff, v11  }
0x2a: {  	v7 =	vadd.s32 v0, v5;
	v6 =	vld [tilespmem:s0+$0x0]  }
0x2b: {  	v62 =	vadd.s32 v1, v5;
	v8 =	vld [tilespmem:s0+$0x10]  }
0x2c: {  	v63 =	vadd.s32 v2, v5;
	v10 =	vld [tilespmem:s0+$0x20];
	_ =	sdelay $0x1  }
0x2d: {  	v5 =	vadd.s32 v3, v5;
	v4 =	vld [tilespmem:s0+$0x30]  }
0x2e: {  	[tilespmem:v7+s21+$0x0] =	vst.idx.msk $0xffff, v6  }
0x2f: {  	s1 =	simm.s32 $0x2;
	[tilespmem:v62+s21+$0x0] =	vst.idx.msk $0xffff, v8  }
0x30: {  	s13 =	simm.s32 $0x4;
	v6 =	vmov s1;
	[tilespmem:v63+s21+$0x0] =	vst.idx.msk $0xffff, v10  }
.LBB2_3:
0x31: {  	p1 =	sne.s32 s13, $0x7E  }
0x32: {  	v6 =	vand.u32 $0x7E, v6;
	[tilespmem:v5+s21+$0x0] =	vst.idx.msk $0xffff, v4;
	s0 =	sadd.s32 $0x80, s0;
	s5 =	smov.u32 s13;
	s13 =	sadd.s32 $0x2, s13  }
0x33: {  	v4 =	vld [tilespmem:s0+$0xFFFFFFC0];
	v5 =	vadd.s32 v0, v6  }
0x34: {  	v8 =	vadd.s32 v1, v6;
	v7 =	vld [tilespmem:s0+$0xFFFFFFD0]  }
0x35: {  	v10 =	vadd.s32 v2, v6;
	v9 =	vld [tilespmem:s0+$0xFFFFFFE0]  }
0x36: {  	v6 =	vadd.s32 v3, v6;
	v11 =	vld [tilespmem:s0+$0xFFFFFFF0];
	_ =	sdelay $0x1  }
0x37: {  	[tilespmem:v5+s21+$0x0] =	vst.idx.msk $0xffff, v4  }
0x38: {  	s11 =	sadd.s32 $0x1, s1;
	s1 =	smov.u32 s5;
	[tilespmem:v8+s21+$0x0] =	vst.idx.msk $0xffff, v7  }
0x39: {  	v4 =	vmov s11;
	[tilespmem:v10+s21+$0x0] =	vst.idx.msk $0xffff, v9  }
0x3a: {  	v5 =	vand.u32 $0x7F, v4;
	[tilespmem:v6+s21+$0x0] =	vst.idx.msk $0xffff, v11  }
0x3b: {  	v7 =	vadd.s32 v0, v5;
	v6 =	vld [tilespmem:s0+$0x0]  }
0x3c: {  	v9 =	vadd.s32 v1, v5;
	v8 =	vld [tilespmem:s0+$0x10]  }
0x3d: {  	v11 =	vadd.s32 v2, v5;
	v10 =	vld [tilespmem:s0+$0x20]  }
.Ltmp0:
0x3e: {  	v5 =	vadd.s32 v3, v5;
	v4 =	vld [tilespmem:s0+$0x30];
	(pc) =	sbr.rel @p1 .LBB2_3-.Ltmp0, $4  }
0x3f: {  	_ = 	snop  }
0x40: {  	[tilespmem:v7+s21+$0x0] =	vst.idx.msk $0xffff, v6  }
0x41: {  	[tilespmem:v9+s21+$0x0] =	vst.idx.msk $0xffff, v8  }
0x42: {  	v6 =	vmov s1;
	[tilespmem:v11+s21+$0x0] =	vst.idx.msk $0xffff, v10  }
0x43: {  	_ =	sdelay $0x3  }
0x44: {  	v6 =	vand.u32 $0x7E, v6;
	[tilespmem:v5+s21+$0x0] =	vst.idx.msk $0xffff, v4;
	s0 =	sadd.s32 $0x80, s0  }
0x45: {  	v4 =	vld [tilespmem:s0+$0xFFFFFFC0];
	v5 =	vadd.s32 v0, v6  }
0x46: {  	v7 =	vld [tilespmem:s0+$0xFFFFFFD0];
	v8 =	vadd.s32 v1, v6  }
0x47: {  	v9 =	vld [tilespmem:s0+$0xFFFFFFE0];
	v10 =	vadd.s32 v2, v6  }
0x48: {  	v11 =	vld [tilespmem:s0+$0xFFFFFFF0];
	v6 =	vadd.s32 v3, v6;
	_ =	sdelay $0x1  }
0x49: {  	[tilespmem:v5+s21+$0x0] =	vst.idx.msk $0xffff, v4  }
0x4a: {  	s1 =	sadd.s32 $0x1, s1;
	[tilespmem:v8+s21+$0x0] =	vst.idx.msk $0xffff, v7  }
0x4b: {  	v4 =	vmov s1;
	[tilespmem:v10+s21+$0x0] =	vst.idx.msk $0xffff, v9  }
0x4c: {  	v4 =	vand.u32 $0x7F, v4;
	[tilespmem:v6+s21+$0x0] =	vst.idx.msk $0xffff, v11  }
0x4d: {  	v61 =	vadd.s32 v0, v4;
	v5 =	vld [tilespmem:s0+$0x0]  }
0x4e: {  	v62 =	vadd.s32 v1, v4;
	v7 =	vld [tilespmem:s0+$0x10]  }
0x4f: {  	v63 =	vadd.s32 v2, v4;
	v9 =	vld [tilespmem:s0+$0x20]  }
0x50: {  	v4 =	vadd.s32 v3, v4;
	v11 =	vld [tilespmem:s0+$0x30];
	_ =	sdelay $0x1  }
0x51: {  	s11 =	sshll.u32 s30, $0x14;
	[tilespmem:v61+s21+$0x0] =	vst.idx.msk $0xffff, v5  }
0x52: {  	s0 =	sor.u32 s6, s11;
	[tilespmem:v62+s21+$0x0] =	vst.idx.msk $0xffff, v7  }
0x53: {  	s0 =	sshrl.u32 s0, $0x3;
	[tilespmem:v63+s21+$0x0] =	vst.idx.msk $0xffff, v9  }
0x54: {  	s13 =	simm.s32 $0x9900;
	s11 =	sadd.s32 s2, s0;
	[tilespmem:v4+s21+$0x0] =	vst.idx.msk $0xffff, v11  }
0x55: {  	[hbm4b:s11+s3] =	stream.linear.scatter [tilespmem:s13], [sflag:$0x5], $0x80, $0x38;
	[tilespmem:$0xDD00] =	vst v63  }
0x56: {  	s14 =	simm.s32 $0x9988;
	s5 =	sadd.s32 $0x10, s11  }
0x57: {  	[hbm4b:s5+s3] =	stream.linear.scatter [tilespmem:s14], [sflag:$0x5], $0x80, $0x38;
	[tilespmem:$0xDD00] =	vst v63  }
0x58: {  	s17 =	simm.s32 $0x9A10;
	s18 =	sadd.s32 $0x20, s11  }
0x59: {  	[hbm4b:s18+s3] =	stream.linear.scatter [tilespmem:s17], [sflag:$0x5], $0x80, $0x38;
	[tilespmem:$0xDD00] =	vst v63  }
0x5a: {  	s13 =	simm.s32 $0x9A98;
	s14 =	sadd.s32 $0x30, s11  }
0x5b: {  	[hbm4b:s14+s3] =	stream.linear.scatter [tilespmem:s13], [sflag:$0x5], $0x80, $0x38;
	[tilespmem:$0xDD00] =	vst v63  }
0x5c: {  	s17 =	simm.s32 $0x9B20;
	s18 =	sadd.s32 $0x40, s11  }
0x5d: {  	[hbm4b:s18+s3] =	stream.linear.scatter [tilespmem:s17], [sflag:$0x5], $0x80, $0x38;
	[tilespmem:$0xDD00] =	vst v63  }
0x5e: {  	s1 =	simm.s32 $0x440;
	s13 =	simm.s32 $0x9BA8;
	s14 =	sadd.s32 $0x50, s11  }
0x5f: {  	[hbm4b:s14+s3] =	stream.linear.scatter [tilespmem:s13], [sflag:$0x5], $0x80, $0x38;
	[tilespmem:$0xDD00] =	vst v63  }
0x60: {  	s5 =	sadd.s32 $0x70, s11;
	s17 =	simm.s32 $0x9C30;
	s18 =	sadd.s32 $0x60, s11  }
0x61: {  	[hbm4b:s18+s3] =	stream.linear.scatter [tilespmem:s17], [sflag:$0x5], $0x80, $0x38;
	[tilespmem:$0xDD00] =	vst v63  }
0x62: {  	s13 =	sadd.s32 $0x1000, s11;
	s17 =	simm.s32 $0x2200;
	s18 =	simm.s32 $0x9CB8  }
.LBB2_5:
0x63: {  	[hbm4b:s5+s3] =	stream.linear.scatter [tilespmem:s18], [sflag:$0x5], $0x80, $0x38;
	[tilespmem:$0xDD00] =	vst v63  }
0x64: {  	s5 =	smov.u32 s1;
	s1 =	smov.u32 s17  }
0x65: {  	s11 =	sadd.s32 $0x1100, s17;
	s1 =	sshra.s32 s1, $0x2;
	s18 =	sadd.s32 $0x9900, s5  }
0x66: {  	[hbm4b:s13+s3] =	stream.linear.scatter [tilespmem:s18], [sflag:$0x5], $0x80, $0x38;
	[tilespmem:$0xDD00] =	vst v63  }
0x67: {  	p1 =	sne.s32 s17, $0x7700;
	s17 =	sadd.s32 $0x9988, s5;
	s18 =	sadd.s32 $0x10, s13  }
0x68: {  	[hbm4b:s18+s3] =	stream.linear.scatter [tilespmem:s17], [sflag:$0x5], $0x80, $0x38;
	[tilespmem:$0xDD00] =	vst v63  }
0x69: {  	s17 =	sadd.s32 $0x9A10, s5;
	s18 =	sadd.s32 $0x20, s13  }
0x6a: {  	[hbm4b:s18+s3] =	stream.linear.scatter [tilespmem:s17], [sflag:$0x5], $0x80, $0x38;
	[tilespmem:$0xDD00] =	vst v63  }
0x6b: {  	s17 =	sadd.s32 $0x9A98, s5;
	s18 =	sadd.s32 $0x30, s13  }
0x6c: {  	[hbm4b:s18+s3] =	stream.linear.scatter [tilespmem:s17], [sflag:$0x5], $0x80, $0x38;
	[tilespmem:$0xDD00] =	vst v63  }
0x6d: {  	s17 =	sadd.s32 $0x9B20, s5;
	s18 =	sadd.s32 $0x40, s13  }
0x6e: {  	[hbm4b:s18+s3] =	stream.linear.scatter [tilespmem:s17], [sflag:$0x5], $0x80, $0x38;
	[tilespmem:$0xDD00] =	vst v63  }
0x6f: {  	s17 =	sadd.s32 $0x9BA8, s5;
	s18 =	sadd.s32 $0x50, s13  }
0x70: {  	[hbm4b:s18+s3] =	stream.linear.scatter [tilespmem:s17], [sflag:$0x5], $0x80, $0x38;
	[tilespmem:$0xDD00] =	vst v63  }
.Ltmp1:
0x71: {  	_ = 	snop;
	(pc) =	sbr.rel @p1 .LBB2_5-.Ltmp1, $4  }
0x72: {  	s17 =	sadd.s32 $0x9C30, s5;
	s18 =	sadd.s32 $0x60, s13  }
0x73: {  	[hbm4b:s18+s3] =	stream.linear.scatter [tilespmem:s17], [sflag:$0x5], $0x80, $0x38;
	[tilespmem:$0xDD00] =	vst v63  }
0x74: {  	s18 =	sadd.s32 $0x9CB8, s5  }
0x75: {  	s5 =	sadd.s32 $0x70, s13;
	s13 =	sadd.s32 $0x1000, s13;
	s17 =	smov.u32 s11  }
0x76: {  	[hbm4b:s5+s3] =	stream.linear.scatter [tilespmem:s18], [sflag:$0x5], $0x80, $0x38;
	[tilespmem:$0xDD00] =	vst v63  }
0x77: {  	s11 =	sadd.s32 $0x9900, s1  }
0x78: {  	[hbm4b:s13+s3] =	stream.linear.scatter [tilespmem:s11], [sflag:$0x5], $0x80, $0x38;
	[tilespmem:$0xDD00] =	vst v63  }
0x79: {  	s14 =	sadd.s32 $0x9988, s1;
	s11 =	sadd.s32 $0x10, s13  }
0x7a: {  	[hbm4b:s11+s3] =	stream.linear.scatter [tilespmem:s14], [sflag:$0x5], $0x80, $0x38;
	[tilespmem:$0xDD00] =	vst v63  }
0x7b: {  	s17 =	sadd.s32 $0x9A10, s1;
	s18 =	sadd.s32 $0x20, s13  }
0x7c: {  	[hbm4b:s18+s3] =	stream.linear.scatter [tilespmem:s17], [sflag:$0x5], $0x80, $0x38;
	[tilespmem:$0xDD00] =	vst v63  }
0x7d: {  	s11 =	sadd.s32 $0x9A98, s1;
	s14 =	sadd.s32 $0x30, s13  }
0x7e: {  	[hbm4b:s14+s3] =	stream.linear.scatter [tilespmem:s11], [sflag:$0x5], $0x80, $0x38;
	[tilespmem:$0xDD00] =	vst v63  }
0x7f: {  	s17 =	sadd.s32 $0x9B20, s1;
	s18 =	sadd.s32 $0x40, s13  }
0x80: {  	[hbm4b:s18+s3] =	stream.linear.scatter [tilespmem:s17], [sflag:$0x5], $0x80, $0x38;
	[tilespmem:$0xDD00] =	vst v63  }
0x81: {  	s11 =	sadd.s32 $0x9BA8, s1;
	s14 =	sadd.s32 $0x50, s13  }
0x82: {  	[hbm4b:s14+s3] =	stream.linear.scatter [tilespmem:s11], [sflag:$0x5], $0x80, $0x38;
	[tilespmem:$0xDD00] =	vst v63  }
0x83: {  	s17 =	sadd.s32 $0x9C30, s1;
	s18 =	sadd.s32 $0x60, s13  }
0x84: {  	[hbm4b:s18+s3] =	stream.linear.scatter [tilespmem:s17], [sflag:$0x5], $0x80, $0x38;
	[tilespmem:$0xDD00] =	vst v63  }
0x85: {  	s5 =	sadd.s32 $0x9CB8, s1;
	s11 =	sadd.s32 $0x70, s13  }
0x86: {  	[hbm4b:s11+s3] =	stream.linear.scatter [tilespmem:s5], [sflag:$0x5], $0x80, $0x38;
	[tilespmem:$0xDD00] =	vst v63  }
0x87: {  	s13 =	sshll.u32 s30, $0x9;
	_ =	swait.ge [sflag:s22], $0x2000  }
0x88: {  	s1 =	sand.u32 $0x3FFFFE00, s13;
	[sflag:s22] =	ssyncset.done $0x0  }
0x89: {  	s14 =	sadd.s32 $0x200, s1;
	s5 =	simm.s32 @!p0 $0x6;
	[sflag:s22] =	ssyncadd.s32 $0xFFFFE000  }
0x8a: {  	[tilespmem:s15], [sflag:$0x1] =	stream.indirect.gather [hbm4b:s4+s12], $0x40, s14, s12, $0xb8;
	[tilespmem:$0xDD00] =	vst v63  }
0x8b: {  	s17 =	simm.s32 $0x0;
	_ =	swait.ge @!p0 [sflag:s5], $0x2000  }
0x8c: {  	v4 =	vmov s17;
	[sflag:s5] =	ssyncset.done @!p0 $0x0  }
0x8d: {  	s13 =	simm.s32 $0x3940;
	v4 =	vand.u32 $0x7E, v4;
	[sflag:s5] =	ssyncadd.s32 @!p0 $0xFFFFE000  }
0x8e: {  	v6 =	vadd.s32 v0, v4;
	v5 =	vld [tilespmem:s13+$0xFFFFFFC0]  }
0x8f: {  	v8 =	vadd.s32 v1, v4;
	v7 =	vld [tilespmem:s13+$0xFFFFFFD0]  }
0x90: {  	v10 =	vadd.s32 v2, v4;
	v9 =	vld [tilespmem:s13+$0xFFFFFFE0]  }
0x91: {  	v4 =	vadd.s32 v3, v4;
	v11 =	vld [tilespmem:s13+$0xFFFFFFF0];
	_ =	sdelay $0x1  }
0x92: {  	[tilespmem:v6+s23+$0x0] =	vst.idx.msk $0xffff, v5  }
0x93: {  	s18 =	simm.s32 $0x1;
	[tilespmem:v8+s23+$0x0] =	vst.idx.msk $0xffff, v7  }
0x94: {  	v5 =	vmov s18;
	[tilespmem:v10+s23+$0x0] =	vst.idx.msk $0xffff, v9  }
0x95: {  	v5 =	vand.u32 $0x7F, v5;
	[tilespmem:v4+s23+$0x0] =	vst.idx.msk $0xffff, v11  }
0x96: {  	v7 =	vadd.s32 v0, v5;
	v6 =	vld [tilespmem:s13+$0x0]  }
0x97: {  	v62 =	vadd.s32 v1, v5;
	v8 =	vld [tilespmem:s13+$0x10]  }
0x98: {  	v63 =	vadd.s32 v2, v5;
	v10 =	vld [tilespmem:s13+$0x20];
	_ =	sdelay $0x1  }
0x99: {  	v5 =	vadd.s32 v3, v5;
	v4 =	vld [tilespmem:s13+$0x30]  }
0x9a: {  	[tilespmem:v7+s23+$0x0] =	vst.idx.msk $0xffff, v6  }
0x9b: {  	s17 =	simm.s32 $0x2;
	[tilespmem:v62+s23+$0x0] =	vst.idx.msk $0xffff, v8  }
0x9c: {  	s18 =	simm.s32 $0x4;
	v6 =	vmov s17;
	[tilespmem:v63+s23+$0x0] =	vst.idx.msk $0xffff, v10  }
.LBB2_7:
0x9d: {  	p0 =	sne.s32 s18, $0x7E  }
0x9e: {  	v6 =	vand.u32 $0x7E, v6;
	[tilespmem:v5+s23+$0x0] =	vst.idx.msk $0xffff, v4;
	s13 =	sadd.s32 $0x80, s13;
	s5 =	smov.u32 s18;
	s18 =	sadd.s32 $0x2, s18  }
0x9f: {  	v4 =	vld [tilespmem:s13+$0xFFFFFFC0];
	v5 =	vadd.s32 v0, v6  }
0xa0: {  	v8 =	vadd.s32 v1, v6;
	v7 =	vld [tilespmem:s13+$0xFFFFFFD0]  }
0xa1: {  	v10 =	vadd.s32 v2, v6;
	v9 =	vld [tilespmem:s13+$0xFFFFFFE0]  }
0xa2: {  	v6 =	vadd.s32 v3, v6;
	v11 =	vld [tilespmem:s13+$0xFFFFFFF0];
	_ =	sdelay $0x1  }
0xa3: {  	[tilespmem:v5+s23+$0x0] =	vst.idx.msk $0xffff, v4  }
0xa4: {  	s11 =	sadd.s32 $0x1, s17;
	s17 =	smov.u32 s5;
	[tilespmem:v8+s23+$0x0] =	vst.idx.msk $0xffff, v7  }
0xa5: {  	v4 =	vmov s11;
	[tilespmem:v10+s23+$0x0] =	vst.idx.msk $0xffff, v9  }
0xa6: {  	v5 =	vand.u32 $0x7F, v4;
	[tilespmem:v6+s23+$0x0] =	vst.idx.msk $0xffff, v11  }
0xa7: {  	v7 =	vadd.s32 v0, v5;
	v6 =	vld [tilespmem:s13+$0x0]  }
0xa8: {  	v9 =	vadd.s32 v1, v5;
	v8 =	vld [tilespmem:s13+$0x10]  }
0xa9: {  	v11 =	vadd.s32 v2, v5;
	v10 =	vld [tilespmem:s13+$0x20]  }
.Ltmp2:
0xaa: {  	v5 =	vadd.s32 v3, v5;
	v4 =	vld [tilespmem:s13+$0x30];
	(pc) =	sbr.rel @p0 .LBB2_7-.Ltmp2, $4  }
0xab: {  	_ = 	snop  }
0xac: {  	[tilespmem:v7+s23+$0x0] =	vst.idx.msk $0xffff, v6  }
0xad: {  	[tilespmem:v9+s23+$0x0] =	vst.idx.msk $0xffff, v8  }
0xae: {  	v6 =	vmov s17;
	[tilespmem:v11+s23+$0x0] =	vst.idx.msk $0xffff, v10  }
0xaf: {  	_ =	sdelay $0x3  }
0xb0: {  	v6 =	vand.u32 $0x7E, v6;
	[tilespmem:v5+s23+$0x0] =	vst.idx.msk $0xffff, v4;
	s5 =	sadd.s32 $0x80, s13  }
0xb1: {  	v4 =	vld [tilespmem:s5+$0xFFFFFFC0];
	v5 =	vadd.s32 v0, v6  }
0xb2: {  	v7 =	vld [tilespmem:s5+$0xFFFFFFD0];
	v8 =	vadd.s32 v1, v6  }
0xb3: {  	v9 =	vld [tilespmem:s5+$0xFFFFFFE0];
	v10 =	vadd.s32 v2, v6  }
0xb4: {  	v11 =	vld [tilespmem:s5+$0xFFFFFFF0];
	v6 =	vadd.s32 v3, v6;
	_ =	sdelay $0x1  }
0xb5: {  	[tilespmem:v5+s23+$0x0] =	vst.idx.msk $0xffff, v4  }
0xb6: {  	s11 =	sadd.s32 $0x1, s17;
	[tilespmem:v8+s23+$0x0] =	vst.idx.msk $0xffff, v7  }
0xb7: {  	v4 =	vmov s11;
	[tilespmem:v10+s23+$0x0] =	vst.idx.msk $0xffff, v9  }
0xb8: {  	v4 =	vand.u32 $0x7F, v4;
	[tilespmem:v6+s23+$0x0] =	vst.idx.msk $0xffff, v11  }
0xb9: {  	v61 =	vadd.s32 v0, v4;
	v5 =	vld [tilespmem:s5+$0x0]  }
0xba: {  	v62 =	vadd.s32 v1, v4;
	v7 =	vld [tilespmem:s5+$0x10]  }
0xbb: {  	v63 =	vadd.s32 v2, v4;
	v9 =	vld [tilespmem:s5+$0x20]  }
0xbc: {  	v4 =	vadd.s32 v3, v4;
	v11 =	vld [tilespmem:s5+$0x30];
	_ =	sdelay $0x1  }
0xbd: {  	[tilespmem:v61+s23+$0x0] =	vst.idx.msk $0xffff, v5  }
0xbe: {  	[tilespmem:v62+s23+$0x0] =	vst.idx.msk $0xffff, v7  }
0xbf: {  	[tilespmem:v63+s23+$0x0] =	vst.idx.msk $0xffff, v9  }
0xc0: {  	s17 =	sadd.s32 s0, s7;
	s18 =	simm.s32 $0xBB00;
	[tilespmem:v4+s23+$0x0] =	vst.idx.msk $0xffff, v11  }
0xc1: {  	[hbm4b:s17+s3] =	stream.linear.scatter [tilespmem:s18], [sflag:$0x6], $0x80, $0x38;
	[tilespmem:$0xDD00] =	vst v63  }
0xc2: {  	s13 =	sadd.s32 $0x10, s17;
	s11 =	simm.s32 $0xBB88  }
0xc3: {  	[hbm4b:s13+s3] =	stream.linear.scatter [tilespmem:s11], [sflag:$0x6], $0x80, $0x38;
	[tilespmem:$0xDD00] =	vst v63  }
0xc4: {  	s14 =	simm.s32 $0xBC10;
	s18 =	sadd.s32 $0x20, s17  }
0xc5: {  	[hbm4b:s18+s3] =	stream.linear.scatter [tilespmem:s14], [sflag:$0x6], $0x80, $0x38;
	[tilespmem:$0xDD00] =	vst v63  }
0xc6: {  	s11 =	simm.s32 $0xBC98;
	s13 =	sadd.s32 $0x30, s17  }
0xc7: {  	[hbm4b:s13+s3] =	stream.linear.scatter [tilespmem:s11], [sflag:$0x6], $0x80, $0x38;
	[tilespmem:$0xDD00] =	vst v63  }
0xc8: {  	s14 =	simm.s32 $0xBD20;
	s18 =	sadd.s32 $0x40, s17  }
0xc9: {  	[hbm4b:s18+s3] =	stream.linear.scatter [tilespmem:s14], [sflag:$0x6], $0x80, $0x38;
	[tilespmem:$0xDD00] =	vst v63  }
0xca: {  	s5 =	simm.s32 $0xBEB8;
	s11 =	simm.s32 $0xBDA8;
	s13 =	sadd.s32 $0x50, s17  }
0xcb: {  	[hbm4b:s13+s3] =	stream.linear.scatter [tilespmem:s11], [sflag:$0x6], $0x80, $0x38;
	[tilespmem:$0xDD00] =	vst v63  }
0xcc: {  	s14 =	simm.s32 $0xBE30;
	s18 =	sadd.s32 $0x60, s17;
	s13 =	simm.s32 $0x440  }
0xcd: {  	[hbm4b:s18+s3] =	stream.linear.scatter [tilespmem:s14], [sflag:$0x6], $0x80, $0x38;
	[tilespmem:$0xDD00] =	vst v63  }
0xce: {  	s11 =	sadd.s32 $0x70, s17;
	s17 =	sadd.s32 $0x1000, s17;
	s18 =	simm.s32 $0x2200  }
.LBB2_9:
0xcf: {  	[hbm4b:s11+s3] =	stream.linear.scatter [tilespmem:s5], [sflag:$0x6], $0x80, $0x38;
	[tilespmem:$0xDD00] =	vst v63  }
0xd0: {  	s5 =	smov.u32 s13;
	s11 =	smov.u32 s18  }
0xd1: {  	s14 =	sadd.s32 $0x1100, s18;
	s13 =	sshra.s32 s11, $0x2;
	s11 =	sadd.s32 $0xBB00, s5  }
0xd2: {  	[hbm4b:s17+s3] =	stream.linear.scatter [tilespmem:s11], [sflag:$0x6], $0x80, $0x38;
	[tilespmem:$0xDD00] =	vst v63  }
0xd3: {  	p0 =	sne.s32 s18, $0x7700;
	s18 =	sadd.s32 $0x10, s17;
	s11 =	sadd.s32 $0xBB88, s5  }
0xd4: {  	[hbm4b:s18+s3] =	stream.linear.scatter [tilespmem:s11], [sflag:$0x6], $0x80, $0x38;
	[tilespmem:$0xDD00] =	vst v63  }
0xd5: {  	s11 =	sadd.s32 $0xBC10, s5;
	s18 =	sadd.s32 $0x20, s17  }
0xd6: {  	[hbm4b:s18+s3] =	stream.linear.scatter [tilespmem:s11], [sflag:$0x6], $0x80, $0x38;
	[tilespmem:$0xDD00] =	vst v63  }
0xd7: {  	s11 =	sadd.s32 $0xBC98, s5;
	s18 =	sadd.s32 $0x30, s17  }
0xd8: {  	[hbm4b:s18+s3] =	stream.linear.scatter [tilespmem:s11], [sflag:$0x6], $0x80, $0x38;
	[tilespmem:$0xDD00] =	vst v63  }
0xd9: {  	s11 =	sadd.s32 $0xBD20, s5;
	s18 =	sadd.s32 $0x40, s17  }
0xda: {  	[hbm4b:s18+s3] =	stream.linear.scatter [tilespmem:s11], [sflag:$0x6], $0x80, $0x38;
	[tilespmem:$0xDD00] =	vst v63  }
.Ltmp3:
0xdb: {  	s11 =	sadd.s32 $0xBDA8, s5;
	s18 =	sadd.s32 $0x50, s17;
	(pc) =	sbr.rel @p0 .LBB2_9-.Ltmp3, $4  }
0xdc: {  	[hbm4b:s18+s3] =	stream.linear.scatter [tilespmem:s11], [sflag:$0x6], $0x80, $0x38;
	[tilespmem:$0xDD00] =	vst v63  }
0xdd: {  	s11 =	sadd.s32 $0xBE30, s5;
	s18 =	sadd.s32 $0x60, s17;
	s5 =	sadd.s32 $0xBEB8, s5  }
0xde: {  	[hbm4b:s18+s3] =	stream.linear.scatter [tilespmem:s11], [sflag:$0x6], $0x80, $0x38;
	[tilespmem:$0xDD00] =	vst v63  }
0xdf: {  	s11 =	sadd.s32 $0x70, s17;
	s17 =	sadd.s32 $0x1000, s17;
	s18 =	smov.u32 s14  }
0xe0: {  	[hbm4b:s11+s3] =	stream.linear.scatter [tilespmem:s5], [sflag:$0x6], $0x80, $0x38;
	[tilespmem:$0xDD00] =	vst v63  }
0xe1: {  	s11 =	sadd.s32 $0xBB00, s13  }
0xe2: {  	[hbm4b:s17+s3] =	stream.linear.scatter [tilespmem:s11], [sflag:$0x6], $0x80, $0x38;
	[tilespmem:$0xDD00] =	vst v63  }
0xe3: {  	s14 =	sadd.s32 $0xBB88, s13;
	s18 =	sadd.s32 $0x10, s17  }
0xe4: {  	[hbm4b:s18+s3] =	stream.linear.scatter [tilespmem:s14], [sflag:$0x6], $0x80, $0x38;
	[tilespmem:$0xDD00] =	vst v63  }
0xe5: {  	s14 =	sadd.s32 $0xBC10, s13;
	s18 =	sadd.s32 $0x20, s17  }
0xe6: {  	[hbm4b:s18+s3] =	stream.linear.scatter [tilespmem:s14], [sflag:$0x6], $0x80, $0x38;
	[tilespmem:$0xDD00] =	vst v63  }
0xe7: {  	s14 =	sadd.s32 $0xBC98, s13;
	s18 =	sadd.s32 $0x30, s17  }
0xe8: {  	[hbm4b:s18+s3] =	stream.linear.scatter [tilespmem:s14], [sflag:$0x6], $0x80, $0x38;
	[tilespmem:$0xDD00] =	vst v63  }
0xe9: {  	s14 =	sadd.s32 $0xBD20, s13;
	s18 =	sadd.s32 $0x40, s17  }
0xea: {  	[hbm4b:s18+s3] =	stream.linear.scatter [tilespmem:s14], [sflag:$0x6], $0x80, $0x38;
	[tilespmem:$0xDD00] =	vst v63  }
0xeb: {  	s14 =	sadd.s32 $0xBDA8, s13;
	s18 =	sadd.s32 $0x50, s17  }
0xec: {  	[hbm4b:s18+s3] =	stream.linear.scatter [tilespmem:s14], [sflag:$0x6], $0x80, $0x38;
	[tilespmem:$0xDD00] =	vst v63  }
0xed: {  	s14 =	sadd.s32 $0xBE30, s13;
	s18 =	sadd.s32 $0x60, s17  }
0xee: {  	[hbm4b:s18+s3] =	stream.linear.scatter [tilespmem:s14], [sflag:$0x6], $0x80, $0x38;
	[tilespmem:$0xDD00] =	vst v63  }
0xef: {  	s11 =	sadd.s32 $0xBEB8, s13;
	s13 =	sadd.s32 $0x70, s17  }
0xf0: {  	[hbm4b:s13+s3] =	stream.linear.scatter [tilespmem:s11], [sflag:$0x6], $0x80, $0x38;
	[tilespmem:$0xDD00] =	vst v63  }
0xf1: {  	_ =	swait.ge [sflag:s24], $0x2000  }
0xf2: {  	[sflag:s24] =	ssyncset.done $0x0  }
0xf3: {  	s14 =	sadd.s32 $0x280, s1;
	[sflag:s24] =	ssyncadd.s32 $0xFFFFE000  }
0xf4: {  	[tilespmem:s16], [sflag:$0x2] =	stream.indirect.gather [hbm4b:s4+s12], $0x40, s14, s12, $0xb8;
	[tilespmem:$0xDD00] =	vst v63  }
0xf5: {  	s17 =	simm.s32 $0x0;
	_ =	swait.ge [sflag:s25], $0x2000  }
0xf6: {  	v4 =	vmov s17;
	[sflag:s25] =	ssyncset.done $0x0  }
0xf7: {  	v4 =	vand.u32 $0x7E, v4;
	s13 =	simm.s32 $0x5940;
	[sflag:s25] =	ssyncadd.s32 $0xFFFFE000  }
0xf8: {  	v6 =	vadd.s32 v0, v4;
	v5 =	vld [tilespmem:s13+$0xFFFFFFC0]  }
0xf9: {  	v8 =	vadd.s32 v1, v4;
	v7 =	vld [tilespmem:s13+$0xFFFFFFD0]  }
0xfa: {  	v10 =	vadd.s32 v2, v4;
	v9 =	vld [tilespmem:s13+$0xFFFFFFE0]  }
0xfb: {  	v4 =	vadd.s32 v3, v4;
	v11 =	vld [tilespmem:s13+$0xFFFFFFF0];
	_ =	sdelay $0x1  }
0xfc: {  	[tilespmem:v6+s21+$0x0] =	vst.idx.msk $0xffff, v5  }
0xfd: {  	s18 =	simm.s32 $0x1;
	[tilespmem:v8+s21+$0x0] =	vst.idx.msk $0xffff, v7  }
0xfe: {  	v5 =	vmov s18;
	[tilespmem:v10+s21+$0x0] =	vst.idx.msk $0xffff, v9  }
0xff: {  	v5 =	vand.u32 $0x7F, v5;
	[tilespmem:v4+s21+$0x0] =	vst.idx.msk $0xffff, v11  }
0x100: {  	v7 =	vadd.s32 v0, v5;
	v6 =	vld [tilespmem:s13+$0x0]  }
0x101: {  	v62 =	vadd.s32 v1, v5;
	v8 =	vld [tilespmem:s13+$0x10]  }
0x102: {  	v63 =	vadd.s32 v2, v5;
	v10 =	vld [tilespmem:s13+$0x20];
	_ =	sdelay $0x1  }
0x103: {  	v5 =	vadd.s32 v3, v5;
	v4 =	vld [tilespmem:s13+$0x30]  }
0x104: {  	[tilespmem:v7+s21+$0x0] =	vst.idx.msk $0xffff, v6  }
0x105: {  	s17 =	simm.s32 $0x2;
	[tilespmem:v62+s21+$0x0] =	vst.idx.msk $0xffff, v8  }
0x106: {  	s18 =	simm.s32 $0x4;
	v6 =	vmov s17;
	[tilespmem:v63+s21+$0x0] =	vst.idx.msk $0xffff, v10  }
.LBB2_11:
0x107: {  	p0 =	sne.s32 s18, $0x7E  }
0x108: {  	v6 =	vand.u32 $0x7E, v6;
	[tilespmem:v5+s21+$0x0] =	vst.idx.msk $0xffff, v4;
	s13 =	sadd.s32 $0x80, s13;
	s5 =	smov.u32 s18;
	s18 =	sadd.s32 $0x2, s18  }
0x109: {  	v4 =	vld [tilespmem:s13+$0xFFFFFFC0];
	v5 =	vadd.s32 v0, v6  }
0x10a: {  	v8 =	vadd.s32 v1, v6;
	v7 =	vld [tilespmem:s13+$0xFFFFFFD0]  }
0x10b: {  	v10 =	vadd.s32 v2, v6;
	v9 =	vld [tilespmem:s13+$0xFFFFFFE0]  }
0x10c: {  	v6 =	vadd.s32 v3, v6;
	v11 =	vld [tilespmem:s13+$0xFFFFFFF0];
	_ =	sdelay $0x1  }
0x10d: {  	[tilespmem:v5+s21+$0x0] =	vst.idx.msk $0xffff, v4  }
0x10e: {  	s11 =	sadd.s32 $0x1, s17;
	s17 =	smov.u32 s5;
	[tilespmem:v8+s21+$0x0] =	vst.idx.msk $0xffff, v7  }
0x10f: {  	v4 =	vmov s11;
	[tilespmem:v10+s21+$0x0] =	vst.idx.msk $0xffff, v9  }
0x110: {  	v5 =	vand.u32 $0x7F, v4;
	[tilespmem:v6+s21+$0x0] =	vst.idx.msk $0xffff, v11  }
0x111: {  	v7 =	vadd.s32 v0, v5;
	v6 =	vld [tilespmem:s13+$0x0]  }
0x112: {  	v9 =	vadd.s32 v1, v5;
	v8 =	vld [tilespmem:s13+$0x10]  }
0x113: {  	v11 =	vadd.s32 v2, v5;
	v10 =	vld [tilespmem:s13+$0x20]  }
.Ltmp4:
0x114: {  	v5 =	vadd.s32 v3, v5;
	v4 =	vld [tilespmem:s13+$0x30];
	(pc) =	sbr.rel @p0 .LBB2_11-.Ltmp4, $4  }
0x115: {  	_ = 	snop  }
0x116: {  	[tilespmem:v7+s21+$0x0] =	vst.idx.msk $0xffff, v6  }
0x117: {  	[tilespmem:v9+s21+$0x0] =	vst.idx.msk $0xffff, v8  }
0x118: {  	v6 =	vmov s17;
	[tilespmem:v11+s21+$0x0] =	vst.idx.msk $0xffff, v10  }
0x119: {  	_ =	sdelay $0x3  }
0x11a: {  	v6 =	vand.u32 $0x7E, v6;
	[tilespmem:v5+s21+$0x0] =	vst.idx.msk $0xffff, v4;
	s5 =	sadd.s32 $0x80, s13  }
0x11b: {  	v4 =	vld [tilespmem:s5+$0xFFFFFFC0];
	v5 =	vadd.s32 v0, v6  }
0x11c: {  	v7 =	vld [tilespmem:s5+$0xFFFFFFD0];
	v8 =	vadd.s32 v1, v6  }
0x11d: {  	v9 =	vld [tilespmem:s5+$0xFFFFFFE0];
	v10 =	vadd.s32 v2, v6  }
0x11e: {  	v11 =	vld [tilespmem:s5+$0xFFFFFFF0];
	v6 =	vadd.s32 v3, v6;
	_ =	sdelay $0x1  }
0x11f: {  	[tilespmem:v5+s21+$0x0] =	vst.idx.msk $0xffff, v4  }
0x120: {  	s11 =	sadd.s32 $0x1, s17;
	[tilespmem:v8+s21+$0x0] =	vst.idx.msk $0xffff, v7  }
0x121: {  	v4 =	vmov s11;
	[tilespmem:v10+s21+$0x0] =	vst.idx.msk $0xffff, v9  }
0x122: {  	v4 =	vand.u32 $0x7F, v4;
	[tilespmem:v6+s21+$0x0] =	vst.idx.msk $0xffff, v11  }
0x123: {  	v61 =	vadd.s32 v0, v4;
	v5 =	vld [tilespmem:s5+$0x0]  }
0x124: {  	v62 =	vadd.s32 v1, v4;
	v7 =	vld [tilespmem:s5+$0x10]  }
0x125: {  	v63 =	vadd.s32 v2, v4;
	v9 =	vld [tilespmem:s5+$0x20]  }
0x126: {  	v4 =	vadd.s32 v3, v4;
	v11 =	vld [tilespmem:s5+$0x30];
	_ =	sdelay $0x1  }
0x127: {  	[tilespmem:v61+s21+$0x0] =	vst.idx.msk $0xffff, v5  }
0x128: {  	[tilespmem:v62+s21+$0x0] =	vst.idx.msk $0xffff, v7  }
0x129: {  	[tilespmem:v63+s21+$0x0] =	vst.idx.msk $0xffff, v9  }
0x12a: {  	s13 =	sadd.s32 s0, s8;
	s5 =	simm.s32 $0x9900;
	[tilespmem:v4+s21+$0x0] =	vst.idx.msk $0xffff, v11  }
0x12b: {  	[hbm4b:s13+s3] =	stream.linear.scatter [tilespmem:s5], [sflag:$0x5], $0x80, $0x38;
	[tilespmem:$0xDD00] =	vst v63  }
0x12c: {  	s14 =	sadd.s32 $0x10, s13;
	s11 =	simm.s32 $0x9988  }
0x12d: {  	[hbm4b:s14+s3] =	stream.linear.scatter [tilespmem:s11], [sflag:$0x5], $0x80, $0x38;
	[tilespmem:$0xDD00] =	vst v63  }
0x12e: {  	s17 =	simm.s32 $0x9A10;
	s18 =	sadd.s32 $0x20, s13  }
0x12f: {  	[hbm4b:s18+s3] =	stream.linear.scatter [tilespmem:s17], [sflag:$0x5], $0x80, $0x38;
	[tilespmem:$0xDD00] =	vst v63  }
0x130: {  	s11 =	simm.s32 $0x9A98;
	s14 =	sadd.s32 $0x30, s13  }
0x131: {  	[hbm4b:s14+s3] =	stream.linear.scatter [tilespmem:s11], [sflag:$0x5], $0x80, $0x38;
	[tilespmem:$0xDD00] =	vst v63  }
0x132: {  	s17 =	simm.s32 $0x9B20;
	s18 =	sadd.s32 $0x40, s13  }
0x133: {  	[hbm4b:s18+s3] =	stream.linear.scatter [tilespmem:s17], [sflag:$0x5], $0x80, $0x38;
	[tilespmem:$0xDD00] =	vst v63  }
0x134: {  	s0 =	simm.s32 $0x440;
	s11 =	simm.s32 $0x9BA8;
	s14 =	sadd.s32 $0x50, s13  }
0x135: {  	[hbm4b:s14+s3] =	stream.linear.scatter [tilespmem:s11], [sflag:$0x5], $0x80, $0x38;
	[tilespmem:$0xDD00] =	vst v63  }
0x136: {  	s5 =	simm.s32 $0x9CB8;
	s17 =	simm.s32 $0x9C30;
	s18 =	sadd.s32 $0x60, s13  }
0x137: {  	[hbm4b:s18+s3] =	stream.linear.scatter [tilespmem:s17], [sflag:$0x5], $0x80, $0x38;
	[tilespmem:$0xDD00] =	vst v63  }
0x138: {  	s11 =	sadd.s32 $0x70, s13;
	s13 =	sadd.s32 $0x1000, s13;
	s17 =	simm.s32 $0x2200  }
.LBB2_13:
0x139: {  	[hbm4b:s11+s3] =	stream.linear.scatter [tilespmem:s5], [sflag:$0x5], $0x80, $0x38;
	[tilespmem:$0xDD00] =	vst v63  }
0x13a: {  	s5 =	smov.u32 s0;
	s0 =	smov.u32 s17  }
0x13b: {  	s14 =	sadd.s32 $0x1100, s17;
	s0 =	sshra.s32 s0, $0x2;
	s11 =	sadd.s32 $0x9900, s5  }
0x13c: {  	[hbm4b:s13+s3] =	stream.linear.scatter [tilespmem:s11], [sflag:$0x5], $0x80, $0x38;
	[tilespmem:$0xDD00] =	vst v63  }
0x13d: {  	p0 =	sne.s32 s17, $0x7700;
	s17 =	sadd.s32 $0x10, s13;
	s11 =	sadd.s32 $0x9988, s5  }
0x13e: {  	[hbm4b:s17+s3] =	stream.linear.scatter [tilespmem:s11], [sflag:$0x5], $0x80, $0x38;
	[tilespmem:$0xDD00] =	vst v63  }
0x13f: {  	s11 =	sadd.s32 $0x9A10, s5;
	s17 =	sadd.s32 $0x20, s13  }
0x140: {  	[hbm4b:s17+s3] =	stream.linear.scatter [tilespmem:s11], [sflag:$0x5], $0x80, $0x38;
	[tilespmem:$0xDD00] =	vst v63  }
0x141: {  	s11 =	sadd.s32 $0x9A98, s5;
	s17 =	sadd.s32 $0x30, s13  }
0x142: {  	[hbm4b:s17+s3] =	stream.linear.scatter [tilespmem:s11], [sflag:$0x5], $0x80, $0x38;
	[tilespmem:$0xDD00] =	vst v63  }
0x143: {  	s11 =	sadd.s32 $0x9B20, s5;
	s17 =	sadd.s32 $0x40, s13  }
0x144: {  	[hbm4b:s17+s3] =	stream.linear.scatter [tilespmem:s11], [sflag:$0x5], $0x80, $0x38;
	[tilespmem:$0xDD00] =	vst v63  }
.Ltmp5:
0x145: {  	s11 =	sadd.s32 $0x9BA8, s5;
	s17 =	sadd.s32 $0x50, s13;
	(pc) =	sbr.rel @p0 .LBB2_13-.Ltmp5, $4  }
0x146: {  	[hbm4b:s17+s3] =	stream.linear.scatter [tilespmem:s11], [sflag:$0x5], $0x80, $0x38;
	[tilespmem:$0xDD00] =	vst v63  }
0x147: {  	s11 =	sadd.s32 $0x9C30, s5;
	s17 =	sadd.s32 $0x60, s13;
	s5 =	sadd.s32 $0x9CB8, s5  }
0x148: {  	[hbm4b:s17+s3] =	stream.linear.scatter [tilespmem:s11], [sflag:$0x5], $0x80, $0x38;
	[tilespmem:$0xDD00] =	vst v63  }
0x149: {  	s11 =	sadd.s32 $0x70, s13;
	s13 =	sadd.s32 $0x1000, s13;
	s17 =	smov.u32 s14  }
0x14a: {  	[hbm4b:s11+s3] =	stream.linear.scatter [tilespmem:s5], [sflag:$0x5], $0x80, $0x38;
	[tilespmem:$0xDD00] =	vst v63  }
0x14b: {  	s18 =	sadd.s32 $0x9900, s0  }
0x14c: {  	[hbm4b:s13+s3] =	stream.linear.scatter [tilespmem:s18], [sflag:$0x5], $0x80, $0x38;
	[tilespmem:$0xDD00] =	vst v63  }
0x14d: {  	s11 =	sadd.s32 $0x9988, s0;
	s14 =	sadd.s32 $0x10, s13  }
0x14e: {  	[hbm4b:s14+s3] =	stream.linear.scatter [tilespmem:s11], [sflag:$0x5], $0x80, $0x38;
	[tilespmem:$0xDD00] =	vst v63  }
0x14f: {  	s17 =	sadd.s32 $0x9A10, s0;
	s18 =	sadd.s32 $0x20, s13  }
0x150: {  	[hbm4b:s18+s3] =	stream.linear.scatter [tilespmem:s17], [sflag:$0x5], $0x80, $0x38;
	[tilespmem:$0xDD00] =	vst v63  }
0x151: {  	s11 =	sadd.s32 $0x9A98, s0;
	s14 =	sadd.s32 $0x30, s13  }
0x152: {  	[hbm4b:s14+s3] =	stream.linear.scatter [tilespmem:s11], [sflag:$0x5], $0x80, $0x38;
	[tilespmem:$0xDD00] =	vst v63  }
0x153: {  	s17 =	sadd.s32 $0x9B20, s0;
	s18 =	sadd.s32 $0x40, s13  }
0x154: {  	[hbm4b:s18+s3] =	stream.linear.scatter [tilespmem:s17], [sflag:$0x5], $0x80, $0x38;
	[tilespmem:$0xDD00] =	vst v63  }
0x155: {  	s11 =	sadd.s32 $0x9BA8, s0;
	s14 =	sadd.s32 $0x50, s13  }
0x156: {  	[hbm4b:s14+s3] =	stream.linear.scatter [tilespmem:s11], [sflag:$0x5], $0x80, $0x38;
	[tilespmem:$0xDD00] =	vst v63  }
0x157: {  	s17 =	sadd.s32 $0x9C30, s0;
	s18 =	sadd.s32 $0x60, s13  }
0x158: {  	[hbm4b:s18+s3] =	stream.linear.scatter [tilespmem:s17], [sflag:$0x5], $0x80, $0x38;
	[tilespmem:$0xDD00] =	vst v63  }
0x159: {  	s11 =	sadd.s32 $0x9CB8, s0;
	s14 =	sadd.s32 $0x70, s13  }
0x15a: {  	[hbm4b:s14+s3] =	stream.linear.scatter [tilespmem:s11], [sflag:$0x5], $0x80, $0x38;
	[tilespmem:$0xDD00] =	vst v63  }
0x15b: {  	p0 =	seq.s32 s30, $0xB;
	_ =	swait.ge [sflag:s26], $0x2000  }
0x15c: {  	s5 =	simm.s32 @!p0 $0x5900;
	[sflag:s26] =	ssyncset.done $0x0  }
0x15d: {  	s0 =	sadd.s32 @!p0 $0x300, s1;
	s1 =	simm.s32 @!p0 $0x80;
	[sflag:s26] =	ssyncadd.s32 $0xFFFFE000  }
0x15e: {  	[tilespmem:s5], [sflag:$0x3] =	stream.indirect.gather @!p0 [hbm4b:s4+s1], $0x40, s0, s1, $0xb8;
	[tilespmem:$0xDD00] =	vst v63  }
0x15f: {  	s17 =	simm.s32 $0x0;
	_ =	swait.ge [sflag:s28], $0x2000  }
0x160: {  	v4 =	vmov s17;
	[sflag:s28] =	ssyncset.done $0x0  }
0x161: {  	v4 =	vand.u32 $0x7E, v4;
	s0 =	simm.s32 $0x7940;
	[sflag:s28] =	ssyncadd.s32 $0xFFFFE000  }
0x162: {  	v6 =	vadd.s32 v0, v4;
	v5 =	vld [tilespmem:s0+$0xFFFFFFC0]  }
0x163: {  	v8 =	vadd.s32 v1, v4;
	v7 =	vld [tilespmem:s0+$0xFFFFFFD0]  }
0x164: {  	v10 =	vadd.s32 v2, v4;
	v9 =	vld [tilespmem:s0+$0xFFFFFFE0]  }
0x165: {  	v4 =	vadd.s32 v3, v4;
	v11 =	vld [tilespmem:s0+$0xFFFFFFF0];
	_ =	sdelay $0x1  }
0x166: {  	[tilespmem:v6+s23+$0x0] =	vst.idx.msk $0xffff, v5  }
0x167: {  	s18 =	simm.s32 $0x1;
	[tilespmem:v8+s23+$0x0] =	vst.idx.msk $0xffff, v7  }
0x168: {  	v5 =	vmov s18;
	[tilespmem:v10+s23+$0x0] =	vst.idx.msk $0xffff, v9  }
0x169: {  	v5 =	vand.u32 $0x7F, v5;
	[tilespmem:v4+s23+$0x0] =	vst.idx.msk $0xffff, v11  }
0x16a: {  	v7 =	vadd.s32 v0, v5;
	v6 =	vld [tilespmem:s0+$0x0]  }
0x16b: {  	v62 =	vadd.s32 v1, v5;
	v8 =	vld [tilespmem:s0+$0x10]  }
0x16c: {  	v63 =	vadd.s32 v2, v5;
	v10 =	vld [tilespmem:s0+$0x20];
	_ =	sdelay $0x1  }
0x16d: {  	v5 =	vadd.s32 v3, v5;
	v4 =	vld [tilespmem:s0+$0x30]  }
0x16e: {  	[tilespmem:v7+s23+$0x0] =	vst.idx.msk $0xffff, v6  }
0x16f: {  	s1 =	simm.s32 $0x2;
	[tilespmem:v62+s23+$0x0] =	vst.idx.msk $0xffff, v8  }
0x170: {  	s13 =	simm.s32 $0x4;
	v6 =	vmov s1;
	[tilespmem:v63+s23+$0x0] =	vst.idx.msk $0xffff, v10  }
.LBB2_15:
0x171: {  	p0 =	sne.s32 s13, $0x7E  }
0x172: {  	v6 =	vand.u32 $0x7E, v6;
	[tilespmem:v5+s23+$0x0] =	vst.idx.msk $0xffff, v4;
	s0 =	sadd.s32 $0x80, s0;
	s5 =	smov.u32 s13;
	s13 =	sadd.s32 $0x2, s13  }
0x173: {  	v4 =	vld [tilespmem:s0+$0xFFFFFFC0];
	v5 =	vadd.s32 v0, v6  }
0x174: {  	v8 =	vadd.s32 v1, v6;
	v7 =	vld [tilespmem:s0+$0xFFFFFFD0]  }
0x175: {  	v10 =	vadd.s32 v2, v6;
	v9 =	vld [tilespmem:s0+$0xFFFFFFE0]  }
0x176: {  	v6 =	vadd.s32 v3, v6;
	v11 =	vld [tilespmem:s0+$0xFFFFFFF0];
	_ =	sdelay $0x1  }
0x177: {  	[tilespmem:v5+s23+$0x0] =	vst.idx.msk $0xffff, v4  }
0x178: {  	s11 =	sadd.s32 $0x1, s1;
	s1 =	smov.u32 s5;
	[tilespmem:v8+s23+$0x0] =	vst.idx.msk $0xffff, v7  }
0x179: {  	v4 =	vmov s11;
	[tilespmem:v10+s23+$0x0] =	vst.idx.msk $0xffff, v9  }
0x17a: {  	v5 =	vand.u32 $0x7F, v4;
	[tilespmem:v6+s23+$0x0] =	vst.idx.msk $0xffff, v11  }
0x17b: {  	v7 =	vadd.s32 v0, v5;
	v6 =	vld [tilespmem:s0+$0x0]  }
0x17c: {  	v9 =	vadd.s32 v1, v5;
	v8 =	vld [tilespmem:s0+$0x10]  }
0x17d: {  	v11 =	vadd.s32 v2, v5;
	v10 =	vld [tilespmem:s0+$0x20]  }
.Ltmp6:
0x17e: {  	v5 =	vadd.s32 v3, v5;
	v4 =	vld [tilespmem:s0+$0x30];
	(pc) =	sbr.rel @p0 .LBB2_15-.Ltmp6, $4  }
0x17f: {  	_ = 	snop  }
0x180: {  	[tilespmem:v7+s23+$0x0] =	vst.idx.msk $0xffff, v6  }
0x181: {  	[tilespmem:v9+s23+$0x0] =	vst.idx.msk $0xffff, v8  }
0x182: {  	v6 =	vmov s1;
	[tilespmem:v11+s23+$0x0] =	vst.idx.msk $0xffff, v10  }
0x183: {  	_ =	sdelay $0x3  }
0x184: {  	v6 =	vand.u32 $0x7E, v6;
	[tilespmem:v5+s23+$0x0] =	vst.idx.msk $0xffff, v4;
	s0 =	sadd.s32 $0x80, s0  }
0x185: {  	v4 =	vld [tilespmem:s0+$0xFFFFFFC0];
	v5 =	vadd.s32 v0, v6  }
0x186: {  	v7 =	vld [tilespmem:s0+$0xFFFFFFD0];
	v8 =	vadd.s32 v1, v6  }
0x187: {  	v9 =	vld [tilespmem:s0+$0xFFFFFFE0];
	v10 =	vadd.s32 v2, v6  }
0x188: {  	v11 =	vld [tilespmem:s0+$0xFFFFFFF0];
	v6 =	vadd.s32 v3, v6;
	_ =	sdelay $0x1  }
0x189: {  	[tilespmem:v5+s23+$0x0] =	vst.idx.msk $0xffff, v4  }
0x18a: {  	s1 =	sadd.s32 $0x1, s1;
	[tilespmem:v8+s23+$0x0] =	vst.idx.msk $0xffff, v7  }
0x18b: {  	v4 =	vmov s1;
	[tilespmem:v10+s23+$0x0] =	vst.idx.msk $0xffff, v9  }
0x18c: {  	v4 =	vand.u32 $0x7F, v4;
	[tilespmem:v6+s23+$0x0] =	vst.idx.msk $0xffff, v11  }
0x18d: {  	v61 =	vadd.s32 v0, v4;
	v5 =	vld [tilespmem:s0+$0x0]  }
0x18e: {  	v62 =	vadd.s32 v1, v4;
	v7 =	vld [tilespmem:s0+$0x10]  }
0x18f: {  	v63 =	vadd.s32 v2, v4;
	v9 =	vld [tilespmem:s0+$0x20]  }
0x190: {  	v4 =	vadd.s32 v3, v4;
	v11 =	vld [tilespmem:s0+$0x30];
	_ =	sdelay $0x1  }
0x191: {  	s5 =	sshll.u32 s31, $0x12;
	[tilespmem:v61+s23+$0x0] =	vst.idx.msk $0xffff, v5  }
0x192: {  	s0 =	sor.u32 s6, s5;
	[tilespmem:v62+s23+$0x0] =	vst.idx.msk $0xffff, v7  }
0x193: {  	s0 =	sshrl.u32 s0, $0x3;
	[tilespmem:v63+s23+$0x0] =	vst.idx.msk $0xffff, v9  }
0x194: {  	s11 =	simm.s32 $0xBB00;
	s1 =	sadd.s32 s2, s0;
	[tilespmem:v4+s23+$0x0] =	vst.idx.msk $0xffff, v11  }
0x195: {  	[hbm4b:s1+s3] =	stream.linear.scatter [tilespmem:s11], [sflag:$0x6], $0x80, $0x38;
	[tilespmem:$0xDD00] =	vst v63  }
0x196: {  	s13 =	simm.s32 $0xBB88;
	s5 =	sadd.s32 $0x10, s1  }
0x197: {  	[hbm4b:s5+s3] =	stream.linear.scatter [tilespmem:s13], [sflag:$0x6], $0x80, $0x38;
	[tilespmem:$0xDD00] =	vst v63  }
0x198: {  	s14 =	simm.s32 $0xBC10;
	s18 =	simm.s32 $0xBC98;
	s17 =	sadd.s32 $0x20, s1  }
0x199: {  	[hbm4b:s17+s3] =	stream.linear.scatter [tilespmem:s14], [sflag:$0x6], $0x80, $0x38;
	[tilespmem:$0xDD00] =	vst v63  }
0x19a: {  	s0 =	simm.s32 $0x440;
	s31 =	sadd.s32 $0x30, s1;
	s11 =	simm.s32 $0xBD20  }
0x19b: {  	[hbm4b:s31+s3] =	stream.linear.scatter [tilespmem:s18], [sflag:$0x6], $0x80, $0x38;
	[tilespmem:$0xDD00] =	vst v63  }
0x19c: {  	s13 =	sadd.s32 $0x40, s1;
	s5 =	simm.s32 $0xBEB8;
	s14 =	simm.s32 $0xBDA8  }
0x19d: {  	[hbm4b:s13+s3] =	stream.linear.scatter [tilespmem:s11], [sflag:$0x6], $0x80, $0x38;
	[tilespmem:$0xDD00] =	vst v63  }
0x19e: {  	s17 =	sadd.s32 $0x50, s1;
	s18 =	simm.s32 $0xBE30;
	s31 =	sadd.s32 $0x60, s1  }
0x19f: {  	[hbm4b:s17+s3] =	stream.linear.scatter [tilespmem:s14], [sflag:$0x6], $0x80, $0x38;
	[tilespmem:$0xDD00] =	vst v63  }
0x1a0: {  	s13 =	simm.s32 $0x2200;
	s11 =	sadd.s32 $0x70, s1;
	s1 =	sadd.s32 $0x1000, s1  }
0x1a1: {  	[hbm4b:s31+s3] =	stream.linear.scatter [tilespmem:s18], [sflag:$0x6], $0x80, $0x38;
	[tilespmem:$0xDD00] =	vst v63  }
.LBB2_17:
0x1a2: {  	[hbm4b:s11+s3] =	stream.linear.scatter [tilespmem:s5], [sflag:$0x6], $0x80, $0x38;
	[tilespmem:$0xDD00] =	vst v63  }
0x1a3: {  	s5 =	smov.u32 s0;
	s0 =	smov.u32 s13  }
0x1a4: {  	s14 =	sadd.s32 $0x1100, s13;
	s0 =	sshra.s32 s0, $0x2;
	s11 =	sadd.s32 $0xBB00, s5  }
0x1a5: {  	[hbm4b:s1+s3] =	stream.linear.scatter [tilespmem:s11], [sflag:$0x6], $0x80, $0x38;
	[tilespmem:$0xDD00] =	vst v63  }
0x1a6: {  	p0 =	sne.s32 s13, $0x7700;
	s13 =	sadd.s32 $0x10, s1;
	s11 =	sadd.s32 $0xBB88, s5  }
0x1a7: {  	[hbm4b:s13+s3] =	stream.linear.scatter [tilespmem:s11], [sflag:$0x6], $0x80, $0x38;
	[tilespmem:$0xDD00] =	vst v63  }
0x1a8: {  	s11 =	sadd.s32 $0xBC10, s5;
	s13 =	sadd.s32 $0x20, s1  }
0x1a9: {  	[hbm4b:s13+s3] =	stream.linear.scatter [tilespmem:s11], [sflag:$0x6], $0x80, $0x38;
	[tilespmem:$0xDD00] =	vst v63  }
0x1aa: {  	s11 =	sadd.s32 $0xBC98, s5;
	s13 =	sadd.s32 $0x30, s1  }
0x1ab: {  	[hbm4b:s13+s3] =	stream.linear.scatter [tilespmem:s11], [sflag:$0x6], $0x80, $0x38;
	[tilespmem:$0xDD00] =	vst v63  }
0x1ac: {  	s11 =	sadd.s32 $0xBD20, s5;
	s13 =	sadd.s32 $0x40, s1  }
0x1ad: {  	[hbm4b:s13+s3] =	stream.linear.scatter [tilespmem:s11], [sflag:$0x6], $0x80, $0x38;
	[tilespmem:$0xDD00] =	vst v63  }
.Ltmp7:
0x1ae: {  	s11 =	sadd.s32 $0xBDA8, s5;
	s13 =	sadd.s32 $0x50, s1;
	(pc) =	sbr.rel @p0 .LBB2_17-.Ltmp7, $4  }
0x1af: {  	[hbm4b:s13+s3] =	stream.linear.scatter [tilespmem:s11], [sflag:$0x6], $0x80, $0x38;
	[tilespmem:$0xDD00] =	vst v63  }
0x1b0: {  	s11 =	sadd.s32 $0xBE30, s5;
	s13 =	sadd.s32 $0x60, s1;
	s5 =	sadd.s32 $0xBEB8, s5  }
0x1b1: {  	[hbm4b:s13+s3] =	stream.linear.scatter [tilespmem:s11], [sflag:$0x6], $0x80, $0x38;
	[tilespmem:$0xDD00] =	vst v63  }
0x1b2: {  	s11 =	sadd.s32 $0x70, s1;
	s1 =	sadd.s32 $0x1000, s1;
	s13 =	smov.u32 s14  }
0x1b3: {  	[hbm4b:s11+s3] =	stream.linear.scatter [tilespmem:s5], [sflag:$0x6], $0x80, $0x38;
	[tilespmem:$0xDD00] =	vst v63  }
0x1b4: {  	s17 =	sadd.s32 $0xBB00, s0  }
0x1b5: {  	[hbm4b:s1+s3] =	stream.linear.scatter [tilespmem:s17], [sflag:$0x6], $0x80, $0x38;
	[tilespmem:$0xDD00] =	vst v63  }
0x1b6: {  	s18 =	sadd.s32 $0xBB88, s0;
	s31 =	sadd.s32 $0x10, s1  }
0x1b7: {  	[hbm4b:s31+s3] =	stream.linear.scatter [tilespmem:s18], [sflag:$0x6], $0x80, $0x38;
	[tilespmem:$0xDD00] =	vst v63  }
0x1b8: {  	s11 =	sadd.s32 $0xBC10, s0;
	s13 =	sadd.s32 $0x20, s1  }
0x1b9: {  	[hbm4b:s13+s3] =	stream.linear.scatter [tilespmem:s11], [sflag:$0x6], $0x80, $0x38;
	[tilespmem:$0xDD00] =	vst v63  }
0x1ba: {  	s14 =	sadd.s32 $0xBC98, s0;
	s17 =	sadd.s32 $0x30, s1  }
0x1bb: {  	[hbm4b:s17+s3] =	stream.linear.scatter [tilespmem:s14], [sflag:$0x6], $0x80, $0x38;
	[tilespmem:$0xDD00] =	vst v63  }
0x1bc: {  	s30 =	sadd.s32 $0x1, s30;
	s18 =	sadd.s32 $0xBD20, s0;
	s31 =	sadd.s32 $0x40, s1  }
0x1bd: {  	[hbm4b:s31+s3] =	stream.linear.scatter [tilespmem:s18], [sflag:$0x6], $0x80, $0x38;
	[tilespmem:$0xDD00] =	vst v63  }
0x1be: {  	p0 =	sne.s32 s30, $0xC;
	s11 =	sadd.s32 $0xBDA8, s0;
	s13 =	sadd.s32 $0x50, s1  }
0x1bf: {  	[hbm4b:s13+s3] =	stream.linear.scatter [tilespmem:s11], [sflag:$0x6], $0x80, $0x38;
	[tilespmem:$0xDD00] =	vst v63  }
.Ltmp8:
0x1c0: {  	_ = 	snop;
	(pc) =	sbr.rel @p0 .LBB2_2-.Ltmp8, $4  }
0x1c1: {  	s14 =	sadd.s32 $0xBE30, s0;
	s17 =	sadd.s32 $0x60, s1  }
0x1c2: {  	[hbm4b:s17+s3] =	stream.linear.scatter [tilespmem:s14], [sflag:$0x6], $0x80, $0x38;
	[tilespmem:$0xDD00] =	vst v63  }
0x1c3: {  	s18 =	sadd.s32 $0xBEB8, s0;
	s31 =	sadd.s32 $0x70, s1  }
0x1c4: {  	[hbm4b:s31+s3] =	stream.linear.scatter [tilespmem:s18], [sflag:$0x6], $0x80, $0x38;
	[tilespmem:$0xDD00] =	vst v63  }
0x1c5: {  	_ =	swait.ge [sflag:s19], $0x2000  }
0x1c6: {  	[sflag:s19] =	ssyncset.done $0x0  }
0x1c7: {  	[sflag:s19] =	ssyncadd.s32 $0xFFFFE000  }
0x1c8: {  	s0 =	simm.s32 $0x0;
	_ =	swait.ge [sflag:s25], $0x2000  }
0x1c9: {  	v4 =	vmov s0;
	[sflag:s25] =	ssyncset.done $0x0  }
0x1ca: {  	s0 =	simm.s32 $0x1940;
	v4 =	vand.u32 $0x7E, v4;
	[sflag:s25] =	ssyncadd.s32 $0xFFFFE000  }
0x1cb: {  	v6 =	vadd.s32 v0, v4;
	v5 =	vld [tilespmem:s0+$0xFFFFFFC0]  }
0x1cc: {  	v8 =	vadd.s32 v1, v4;
	v7 =	vld [tilespmem:s0+$0xFFFFFFD0]  }
0x1cd: {  	v10 =	vadd.s32 v2, v4;
	v9 =	vld [tilespmem:s0+$0xFFFFFFE0]  }
0x1ce: {  	v4 =	vadd.s32 v3, v4;
	v11 =	vld [tilespmem:s0+$0xFFFFFFF0];
	_ =	sdelay $0x1  }
0x1cf: {  	[tilespmem:v6+s21+$0x0] =	vst.idx.msk $0xffff, v5  }
0x1d0: {  	s1 =	simm.s32 $0x1;
	[tilespmem:v8+s21+$0x0] =	vst.idx.msk $0xffff, v7  }
0x1d1: {  	v5 =	vmov s1;
	[tilespmem:v10+s21+$0x0] =	vst.idx.msk $0xffff, v9  }
0x1d2: {  	v5 =	vand.u32 $0x7F, v5;
	[tilespmem:v4+s21+$0x0] =	vst.idx.msk $0xffff, v11  }
0x1d3: {  	v7 =	vadd.s32 v0, v5;
	v6 =	vld [tilespmem:s0+$0x0]  }
0x1d4: {  	v62 =	vadd.s32 v1, v5;
	v8 =	vld [tilespmem:s0+$0x10]  }
0x1d5: {  	v63 =	vadd.s32 v2, v5;
	v10 =	vld [tilespmem:s0+$0x20];
	_ =	sdelay $0x1  }
0x1d6: {  	v5 =	vadd.s32 v3, v5;
	v4 =	vld [tilespmem:s0+$0x30]  }
0x1d7: {  	[tilespmem:v7+s21+$0x0] =	vst.idx.msk $0xffff, v6  }
0x1d8: {  	s1 =	simm.s32 $0x2;
	[tilespmem:v62+s21+$0x0] =	vst.idx.msk $0xffff, v8  }
0x1d9: {  	s13 =	simm.s32 $0x4;
	v6 =	vmov s1;
	[tilespmem:v63+s21+$0x0] =	vst.idx.msk $0xffff, v10  }
.LBB2_20:
0x1da: {  	p0 =	sne.s32 s13, $0x7E  }
0x1db: {  	v6 =	vand.u32 $0x7E, v6;
	[tilespmem:v5+s21+$0x0] =	vst.idx.msk $0xffff, v4;
	s0 =	sadd.s32 $0x80, s0;
	s5 =	smov.u32 s13;
	s13 =	sadd.s32 $0x2, s13  }
0x1dc: {  	v4 =	vld [tilespmem:s0+$0xFFFFFFC0];
	v5 =	vadd.s32 v0, v6  }
0x1dd: {  	v8 =	vadd.s32 v1, v6;
	v7 =	vld [tilespmem:s0+$0xFFFFFFD0]  }
0x1de: {  	v10 =	vadd.s32 v2, v6;
	v9 =	vld [tilespmem:s0+$0xFFFFFFE0]  }
0x1df: {  	v6 =	vadd.s32 v3, v6;
	v11 =	vld [tilespmem:s0+$0xFFFFFFF0];
	_ =	sdelay $0x1  }
0x1e0: {  	[tilespmem:v5+s21+$0x0] =	vst.idx.msk $0xffff, v4  }
0x1e1: {  	s11 =	sadd.s32 $0x1, s1;
	s1 =	smov.u32 s5;
	[tilespmem:v8+s21+$0x0] =	vst.idx.msk $0xffff, v7  }
0x1e2: {  	v4 =	vmov s11;
	[tilespmem:v10+s21+$0x0] =	vst.idx.msk $0xffff, v9  }
0x1e3: {  	v5 =	vand.u32 $0x7F, v4;
	[tilespmem:v6+s21+$0x0] =	vst.idx.msk $0xffff, v11  }
0x1e4: {  	v7 =	vadd.s32 v0, v5;
	v6 =	vld [tilespmem:s0+$0x0]  }
0x1e5: {  	v9 =	vadd.s32 v1, v5;
	v8 =	vld [tilespmem:s0+$0x10]  }
0x1e6: {  	v11 =	vadd.s32 v2, v5;
	v10 =	vld [tilespmem:s0+$0x20]  }
.Ltmp9:
0x1e7: {  	v5 =	vadd.s32 v3, v5;
	v4 =	vld [tilespmem:s0+$0x30];
	(pc) =	sbr.rel @p0 .LBB2_20-.Ltmp9, $4  }
0x1e8: {  	_ = 	snop  }
0x1e9: {  	[tilespmem:v7+s21+$0x0] =	vst.idx.msk $0xffff, v6  }
0x1ea: {  	[tilespmem:v9+s21+$0x0] =	vst.idx.msk $0xffff, v8  }
0x1eb: {  	v6 =	vmov s1;
	[tilespmem:v11+s21+$0x0] =	vst.idx.msk $0xffff, v10  }
0x1ec: {  	_ =	sdelay $0x3  }
0x1ed: {  	v6 =	vand.u32 $0x7E, v6;
	[tilespmem:v5+s21+$0x0] =	vst.idx.msk $0xffff, v4;
	s0 =	sadd.s32 $0x80, s0  }
0x1ee: {  	v4 =	vld [tilespmem:s0+$0xFFFFFFC0];
	v5 =	vadd.s32 v0, v6  }
0x1ef: {  	v7 =	vld [tilespmem:s0+$0xFFFFFFD0];
	v8 =	vadd.s32 v1, v6  }
0x1f0: {  	v9 =	vld [tilespmem:s0+$0xFFFFFFE0];
	v10 =	vadd.s32 v2, v6  }
0x1f1: {  	v11 =	vld [tilespmem:s0+$0xFFFFFFF0];
	v6 =	vadd.s32 v3, v6;
	_ =	sdelay $0x1  }
0x1f2: {  	[tilespmem:v5+s21+$0x0] =	vst.idx.msk $0xffff, v4  }
0x1f3: {  	s1 =	sadd.s32 $0x1, s1;
	[tilespmem:v8+s21+$0x0] =	vst.idx.msk $0xffff, v7  }
0x1f4: {  	v4 =	vmov s1;
	[tilespmem:v10+s21+$0x0] =	vst.idx.msk $0xffff, v9  }
0x1f5: {  	v4 =	vand.u32 $0x7F, v4;
	[tilespmem:v6+s21+$0x0] =	vst.idx.msk $0xffff, v11  }
0x1f6: {  	v61 =	vadd.s32 v0, v4;
	v5 =	vld [tilespmem:s0+$0x0]  }
0x1f7: {  	v62 =	vadd.s32 v1, v4;
	v7 =	vld [tilespmem:s0+$0x10]  }
0x1f8: {  	v63 =	vadd.s32 v2, v4;
	v9 =	vld [tilespmem:s0+$0x20]  }
0x1f9: {  	v4 =	vadd.s32 v3, v4;
	v11 =	vld [tilespmem:s0+$0x30];
	_ =	sdelay $0x1  }
0x1fa: {  	[tilespmem:v61+s21+$0x0] =	vst.idx.msk $0xffff, v5  }
0x1fb: {  	[tilespmem:v62+s21+$0x0] =	vst.idx.msk $0xffff, v7  }
0x1fc: {  	[tilespmem:v63+s21+$0x0] =	vst.idx.msk $0xffff, v9  }
0x1fd: {  	s14 =	simm.s32 $0x9900;
	[tilespmem:v4+s21+$0x0] =	vst.idx.msk $0xffff, v11  }
0x1fe: {  	[hbm4b:s9+s3] =	stream.linear.scatter [tilespmem:s14], [sflag:$0x5], $0x80, $0x38;
	[tilespmem:$0xDD00] =	vst v63  }
0x1ff: {  	s17 =	simm.s32 $0x9988;
	s18 =	sadd.s32 $0x10, s9  }
0x200: {  	[hbm4b:s18+s3] =	stream.linear.scatter [tilespmem:s17], [sflag:$0x5], $0x80, $0x38;
	[tilespmem:$0xDD00] =	vst v63  }
0x201: {  	s30 =	simm.s32 $0x9A10;
	s31 =	sadd.s32 $0x20, s9;
	s5 =	simm.s32 $0x9A98  }
0x202: {  	[hbm4b:s31+s3] =	stream.linear.scatter [tilespmem:s30], [sflag:$0x5], $0x80, $0x38;
	[tilespmem:$0xDD00] =	vst v63  }
0x203: {  	s11 =	sadd.s32 $0x30, s9;
	s13 =	simm.s32 $0x9B20;
	s1 =	sadd.s32 $0x1000, s9  }
0x204: {  	[hbm4b:s11+s3] =	stream.linear.scatter [tilespmem:s5], [sflag:$0x5], $0x80, $0x38;
	[tilespmem:$0xDD00] =	vst v63  }
0x205: {  	s0 =	simm.s32 $0x440;
	s14 =	sadd.s32 $0x40, s9;
	s17 =	simm.s32 $0x9BA8  }
0x206: {  	[hbm4b:s14+s3] =	stream.linear.scatter [tilespmem:s13], [sflag:$0x5], $0x80, $0x38;
	[tilespmem:$0xDD00] =	vst v63  }
0x207: {  	s18 =	sadd.s32 $0x50, s9;
	s30 =	simm.s32 $0x9C30;
	s31 =	sadd.s32 $0x60, s9  }
0x208: {  	[hbm4b:s18+s3] =	stream.linear.scatter [tilespmem:s17], [sflag:$0x5], $0x80, $0x38;
	[tilespmem:$0xDD00] =	vst v63  }
0x209: {  	s5 =	simm.s32 $0x9CB8;
	s11 =	sadd.s32 $0x70, s9;
	s13 =	simm.s32 $0x2200  }
0x20a: {  	[hbm4b:s31+s3] =	stream.linear.scatter [tilespmem:s30], [sflag:$0x5], $0x80, $0x38;
	[tilespmem:$0xDD00] =	vst v63  }
.LBB2_22:
0x20b: {  	[hbm4b:s11+s3] =	stream.linear.scatter [tilespmem:s5], [sflag:$0x5], $0x80, $0x38;
	[tilespmem:$0xDD00] =	vst v63  }
0x20c: {  	s5 =	smov.u32 s0;
	s0 =	smov.u32 s13  }
0x20d: {  	s14 =	sadd.s32 $0x1100, s13;
	s0 =	sshra.s32 s0, $0x2;
	s11 =	sadd.s32 $0x9900, s5  }
0x20e: {  	[hbm4b:s1+s3] =	stream.linear.scatter [tilespmem:s11], [sflag:$0x5], $0x80, $0x38;
	[tilespmem:$0xDD00] =	vst v63  }
0x20f: {  	p0 =	sne.s32 s13, $0x7700;
	s13 =	sadd.s32 $0x10, s1;
	s11 =	sadd.s32 $0x9988, s5  }
0x210: {  	[hbm4b:s13+s3] =	stream.linear.scatter [tilespmem:s11], [sflag:$0x5], $0x80, $0x38;
	[tilespmem:$0xDD00] =	vst v63  }
0x211: {  	s11 =	sadd.s32 $0x9A10, s5;
	s13 =	sadd.s32 $0x20, s1  }
0x212: {  	[hbm4b:s13+s3] =	stream.linear.scatter [tilespmem:s11], [sflag:$0x5], $0x80, $0x38;
	[tilespmem:$0xDD00] =	vst v63  }
0x213: {  	s11 =	sadd.s32 $0x9A98, s5;
	s13 =	sadd.s32 $0x30, s1  }
0x214: {  	[hbm4b:s13+s3] =	stream.linear.scatter [tilespmem:s11], [sflag:$0x5], $0x80, $0x38;
	[tilespmem:$0xDD00] =	vst v63  }
0x215: {  	s11 =	sadd.s32 $0x9B20, s5;
	s13 =	sadd.s32 $0x40, s1  }
0x216: {  	[hbm4b:s13+s3] =	stream.linear.scatter [tilespmem:s11], [sflag:$0x5], $0x80, $0x38;
	[tilespmem:$0xDD00] =	vst v63  }
.Ltmp10:
0x217: {  	s11 =	sadd.s32 $0x9BA8, s5;
	s13 =	sadd.s32 $0x50, s1;
	(pc) =	sbr.rel @p0 .LBB2_22-.Ltmp10, $4  }
0x218: {  	[hbm4b:s13+s3] =	stream.linear.scatter [tilespmem:s11], [sflag:$0x5], $0x80, $0x38;
	[tilespmem:$0xDD00] =	vst v63  }
0x219: {  	s11 =	sadd.s32 $0x9C30, s5;
	s13 =	sadd.s32 $0x60, s1;
	s5 =	sadd.s32 $0x9CB8, s5  }
0x21a: {  	[hbm4b:s13+s3] =	stream.linear.scatter [tilespmem:s11], [sflag:$0x5], $0x80, $0x38;
	[tilespmem:$0xDD00] =	vst v63  }
0x21b: {  	s11 =	sadd.s32 $0x70, s1;
	s1 =	sadd.s32 $0x1000, s1;
	s13 =	smov.u32 s14  }
0x21c: {  	[hbm4b:s11+s3] =	stream.linear.scatter [tilespmem:s5], [sflag:$0x5], $0x80, $0x38;
	[tilespmem:$0xDD00] =	vst v63  }
0x21d: {  	s14 =	sadd.s32 $0x9900, s0  }
0x21e: {  	[hbm4b:s1+s3] =	stream.linear.scatter [tilespmem:s14], [sflag:$0x5], $0x80, $0x38;
	[tilespmem:$0xDD00] =	vst v63  }
0x21f: {  	s17 =	sadd.s32 $0x9988, s0;
	s18 =	sadd.s32 $0x10, s1  }
0x220: {  	[hbm4b:s18+s3] =	stream.linear.scatter [tilespmem:s17], [sflag:$0x5], $0x80, $0x38;
	[tilespmem:$0xDD00] =	vst v63  }
0x221: {  	s30 =	sadd.s32 $0x9A10, s0;
	s31 =	sadd.s32 $0x20, s1  }
0x222: {  	[hbm4b:s31+s3] =	stream.linear.scatter [tilespmem:s30], [sflag:$0x5], $0x80, $0x38;
	[tilespmem:$0xDD00] =	vst v63  }
0x223: {  	s13 =	sadd.s32 $0x9A98, s0;
	s14 =	sadd.s32 $0x30, s1  }
0x224: {  	[hbm4b:s14+s3] =	stream.linear.scatter [tilespmem:s13], [sflag:$0x5], $0x80, $0x38;
	[tilespmem:$0xDD00] =	vst v63  }
0x225: {  	s17 =	sadd.s32 $0x9B20, s0;
	s18 =	sadd.s32 $0x40, s1  }
0x226: {  	[hbm4b:s18+s3] =	stream.linear.scatter [tilespmem:s17], [sflag:$0x5], $0x80, $0x38;
	[tilespmem:$0xDD00] =	vst v63  }
0x227: {  	s30 =	sadd.s32 $0x9BA8, s0;
	s31 =	sadd.s32 $0x50, s1  }
0x228: {  	[hbm4b:s31+s3] =	stream.linear.scatter [tilespmem:s30], [sflag:$0x5], $0x80, $0x38;
	[tilespmem:$0xDD00] =	vst v63  }
0x229: {  	s13 =	sadd.s32 $0x9C30, s0;
	s14 =	sadd.s32 $0x60, s1  }
0x22a: {  	[hbm4b:s14+s3] =	stream.linear.scatter [tilespmem:s13], [sflag:$0x5], $0x80, $0x38;
	[tilespmem:$0xDD00] =	vst v63  }
0x22b: {  	s17 =	sadd.s32 $0x9CB8, s0;
	s18 =	sadd.s32 $0x70, s1  }
0x22c: {  	[hbm4b:s18+s3] =	stream.linear.scatter [tilespmem:s17], [sflag:$0x5], $0x80, $0x38;
	[tilespmem:$0xDD00] =	vst v63  }
0x22d: {  	_ =	swait.ge [sflag:s22], $0x2000  }
0x22e: {  	[sflag:s22] =	ssyncset.done $0x0  }
0x22f: {  	[sflag:s22] =	ssyncadd.s32 $0xFFFFE000  }
0x230: {  	s30 =	simm.s32 $0x0;
	_ =	swait.ge [sflag:s28], $0x2000  }
0x231: {  	v4 =	vmov s30;
	[sflag:s28] =	ssyncset.done $0x0  }
0x232: {  	s0 =	simm.s32 $0x3940;
	v4 =	vand.u32 $0x7E, v4;
	[sflag:s28] =	ssyncadd.s32 $0xFFFFE000  }
0x233: {  	v6 =	vadd.s32 v0, v4;
	v5 =	vld [tilespmem:s0+$0xFFFFFFC0]  }
0x234: {  	v8 =	vadd.s32 v1, v4;
	v7 =	vld [tilespmem:s0+$0xFFFFFFD0]  }
0x235: {  	v10 =	vadd.s32 v2, v4;
	v9 =	vld [tilespmem:s0+$0xFFFFFFE0]  }
0x236: {  	v4 =	vadd.s32 v3, v4;
	v11 =	vld [tilespmem:s0+$0xFFFFFFF0];
	_ =	sdelay $0x1  }
0x237: {  	[tilespmem:v6+s23+$0x0] =	vst.idx.msk $0xffff, v5  }
0x238: {  	s31 =	simm.s32 $0x1;
	[tilespmem:v8+s23+$0x0] =	vst.idx.msk $0xffff, v7  }
0x239: {  	v5 =	vmov s31;
	[tilespmem:v10+s23+$0x0] =	vst.idx.msk $0xffff, v9  }
0x23a: {  	v5 =	vand.u32 $0x7F, v5;
	[tilespmem:v4+s23+$0x0] =	vst.idx.msk $0xffff, v11  }
0x23b: {  	v7 =	vadd.s32 v0, v5;
	v6 =	vld [tilespmem:s0+$0x0]  }
0x23c: {  	v62 =	vadd.s32 v1, v5;
	v8 =	vld [tilespmem:s0+$0x10]  }
0x23d: {  	v63 =	vadd.s32 v2, v5;
	v10 =	vld [tilespmem:s0+$0x20];
	_ =	sdelay $0x1  }
0x23e: {  	v5 =	vadd.s32 v3, v5;
	v4 =	vld [tilespmem:s0+$0x30]  }
0x23f: {  	[tilespmem:v7+s23+$0x0] =	vst.idx.msk $0xffff, v6  }
0x240: {  	s1 =	simm.s32 $0x2;
	[tilespmem:v62+s23+$0x0] =	vst.idx.msk $0xffff, v8  }
0x241: {  	s13 =	simm.s32 $0x4;
	v6 =	vmov s1;
	[tilespmem:v63+s23+$0x0] =	vst.idx.msk $0xffff, v10  }
.LBB2_24:
0x242: {  	p0 =	sne.s32 s13, $0x7E  }
0x243: {  	v6 =	vand.u32 $0x7E, v6;
	[tilespmem:v5+s23+$0x0] =	vst.idx.msk $0xffff, v4;
	s0 =	sadd.s32 $0x80, s0;
	s5 =	smov.u32 s13;
	s13 =	sadd.s32 $0x2, s13  }
0x244: {  	v4 =	vld [tilespmem:s0+$0xFFFFFFC0];
	v5 =	vadd.s32 v0, v6  }
0x245: {  	v8 =	vadd.s32 v1, v6;
	v7 =	vld [tilespmem:s0+$0xFFFFFFD0]  }
0x246: {  	v10 =	vadd.s32 v2, v6;
	v9 =	vld [tilespmem:s0+$0xFFFFFFE0]  }
0x247: {  	v6 =	vadd.s32 v3, v6;
	v11 =	vld [tilespmem:s0+$0xFFFFFFF0];
	_ =	sdelay $0x1  }
0x248: {  	[tilespmem:v5+s23+$0x0] =	vst.idx.msk $0xffff, v4  }
0x249: {  	s11 =	sadd.s32 $0x1, s1;
	s1 =	smov.u32 s5;
	[tilespmem:v8+s23+$0x0] =	vst.idx.msk $0xffff, v7  }
0x24a: {  	v4 =	vmov s11;
	[tilespmem:v10+s23+$0x0] =	vst.idx.msk $0xffff, v9  }
0x24b: {  	v5 =	vand.u32 $0x7F, v4;
	[tilespmem:v6+s23+$0x0] =	vst.idx.msk $0xffff, v11  }
0x24c: {  	v7 =	vadd.s32 v0, v5;
	v6 =	vld [tilespmem:s0+$0x0]  }
0x24d: {  	v9 =	vadd.s32 v1, v5;
	v8 =	vld [tilespmem:s0+$0x10]  }
0x24e: {  	v11 =	vadd.s32 v2, v5;
	v10 =	vld [tilespmem:s0+$0x20]  }
.Ltmp11:
0x24f: {  	v5 =	vadd.s32 v3, v5;
	v4 =	vld [tilespmem:s0+$0x30];
	(pc) =	sbr.rel @p0 .LBB2_24-.Ltmp11, $4  }
0x250: {  	_ = 	snop  }
0x251: {  	[tilespmem:v7+s23+$0x0] =	vst.idx.msk $0xffff, v6  }
0x252: {  	[tilespmem:v9+s23+$0x0] =	vst.idx.msk $0xffff, v8  }
0x253: {  	v6 =	vmov s1;
	[tilespmem:v11+s23+$0x0] =	vst.idx.msk $0xffff, v10  }
0x254: {  	_ =	sdelay $0x3  }
0x255: {  	v6 =	vand.u32 $0x7E, v6;
	[tilespmem:v5+s23+$0x0] =	vst.idx.msk $0xffff, v4;
	s0 =	sadd.s32 $0x80, s0  }
0x256: {  	v4 =	vld [tilespmem:s0+$0xFFFFFFC0];
	v5 =	vadd.s32 v0, v6  }
0x257: {  	v7 =	vld [tilespmem:s0+$0xFFFFFFD0];
	v8 =	vadd.s32 v1, v6  }
0x258: {  	v9 =	vld [tilespmem:s0+$0xFFFFFFE0];
	v10 =	vadd.s32 v2, v6  }
0x259: {  	v11 =	vld [tilespmem:s0+$0xFFFFFFF0];
	v6 =	vadd.s32 v3, v6;
	_ =	sdelay $0x1  }
0x25a: {  	[tilespmem:v5+s23+$0x0] =	vst.idx.msk $0xffff, v4  }
0x25b: {  	s1 =	sadd.s32 $0x1, s1;
	[tilespmem:v8+s23+$0x0] =	vst.idx.msk $0xffff, v7  }
0x25c: {  	v4 =	vmov s1;
	[tilespmem:v10+s23+$0x0] =	vst.idx.msk $0xffff, v9  }
0x25d: {  	v4 =	vand.u32 $0x7F, v4;
	[tilespmem:v6+s23+$0x0] =	vst.idx.msk $0xffff, v11  }
0x25e: {  	v61 =	vadd.s32 v0, v4;
	v5 =	vld [tilespmem:s0+$0x0]  }
0x25f: {  	v62 =	vadd.s32 v1, v4;
	v7 =	vld [tilespmem:s0+$0x10]  }
0x260: {  	v63 =	vadd.s32 v2, v4;
	v9 =	vld [tilespmem:s0+$0x20]  }
0x261: {  	v4 =	vadd.s32 v3, v4;
	v11 =	vld [tilespmem:s0+$0x30];
	_ =	sdelay $0x1  }
0x262: {  	[tilespmem:v61+s23+$0x0] =	vst.idx.msk $0xffff, v5  }
0x263: {  	[tilespmem:v62+s23+$0x0] =	vst.idx.msk $0xffff, v7  }
0x264: {  	[tilespmem:v63+s23+$0x0] =	vst.idx.msk $0xffff, v9  }
0x265: {  	s14 =	simm.s32 $0xBB00;
	[tilespmem:v4+s23+$0x0] =	vst.idx.msk $0xffff, v11  }
0x266: {  	[hbm4b:s10+s3] =	stream.linear.scatter [tilespmem:s14], [sflag:$0x6], $0x80, $0x38;
	[tilespmem:$0xDD00] =	vst v63  }
0x267: {  	s17 =	simm.s32 $0xBB88;
	s18 =	sadd.s32 $0x10, s10  }
0x268: {  	[hbm4b:s18+s3] =	stream.linear.scatter [tilespmem:s17], [sflag:$0x6], $0x80, $0x38;
	[tilespmem:$0xDD00] =	vst v63  }
0x269: {  	s30 =	simm.s32 $0xBC10;
	s31 =	sadd.s32 $0x20, s10;
	s5 =	simm.s32 $0xBC98  }
0x26a: {  	[hbm4b:s31+s3] =	stream.linear.scatter [tilespmem:s30], [sflag:$0x6], $0x80, $0x38;
	[tilespmem:$0xDD00] =	vst v63  }
0x26b: {  	s11 =	sadd.s32 $0x30, s10;
	s13 =	simm.s32 $0xBD20;
	s1 =	sadd.s32 $0x1000, s10  }
0x26c: {  	[hbm4b:s11+s3] =	stream.linear.scatter [tilespmem:s5], [sflag:$0x6], $0x80, $0x38;
	[tilespmem:$0xDD00] =	vst v63  }
0x26d: {  	s0 =	simm.s32 $0x440;
	s14 =	sadd.s32 $0x40, s10;
	s17 =	simm.s32 $0xBDA8  }
0x26e: {  	[hbm4b:s14+s3] =	stream.linear.scatter [tilespmem:s13], [sflag:$0x6], $0x80, $0x38;
	[tilespmem:$0xDD00] =	vst v63  }
0x26f: {  	s18 =	sadd.s32 $0x50, s10;
	s30 =	simm.s32 $0xBE30;
	s31 =	sadd.s32 $0x60, s10  }
0x270: {  	[hbm4b:s18+s3] =	stream.linear.scatter [tilespmem:s17], [sflag:$0x6], $0x80, $0x38;
	[tilespmem:$0xDD00] =	vst v63  }
0x271: {  	s5 =	simm.s32 $0xBEB8;
	s11 =	sadd.s32 $0x70, s10;
	s13 =	simm.s32 $0x2200  }
0x272: {  	[hbm4b:s31+s3] =	stream.linear.scatter [tilespmem:s30], [sflag:$0x6], $0x80, $0x38;
	[tilespmem:$0xDD00] =	vst v63  }
.LBB2_26:
0x273: {  	[hbm4b:s11+s3] =	stream.linear.scatter [tilespmem:s5], [sflag:$0x6], $0x80, $0x38;
	[tilespmem:$0xDD00] =	vst v63  }
0x274: {  	s5 =	smov.u32 s0;
	s0 =	smov.u32 s13  }
0x275: {  	s14 =	sadd.s32 $0x1100, s13;
	s0 =	sshra.s32 s0, $0x2;
	s11 =	sadd.s32 $0xBB00, s5  }
0x276: {  	[hbm4b:s1+s3] =	stream.linear.scatter [tilespmem:s11], [sflag:$0x6], $0x80, $0x38;
	[tilespmem:$0xDD00] =	vst v63  }
0x277: {  	p0 =	sne.s32 s13, $0x7700;
	s13 =	sadd.s32 $0x10, s1;
	s11 =	sadd.s32 $0xBB88, s5  }
0x278: {  	[hbm4b:s13+s3] =	stream.linear.scatter [tilespmem:s11], [sflag:$0x6], $0x80, $0x38;
	[tilespmem:$0xDD00] =	vst v63  }
0x279: {  	s11 =	sadd.s32 $0xBC10, s5;
	s13 =	sadd.s32 $0x20, s1  }
0x27a: {  	[hbm4b:s13+s3] =	stream.linear.scatter [tilespmem:s11], [sflag:$0x6], $0x80, $0x38;
	[tilespmem:$0xDD00] =	vst v63  }
0x27b: {  	s11 =	sadd.s32 $0xBC98, s5;
	s13 =	sadd.s32 $0x30, s1  }
0x27c: {  	[hbm4b:s13+s3] =	stream.linear.scatter [tilespmem:s11], [sflag:$0x6], $0x80, $0x38;
	[tilespmem:$0xDD00] =	vst v63  }
0x27d: {  	s11 =	sadd.s32 $0xBD20, s5;
	s13 =	sadd.s32 $0x40, s1  }
0x27e: {  	[hbm4b:s13+s3] =	stream.linear.scatter [tilespmem:s11], [sflag:$0x6], $0x80, $0x38;
	[tilespmem:$0xDD00] =	vst v63  }
.Ltmp12:
0x27f: {  	s11 =	sadd.s32 $0xBDA8, s5;
	s13 =	sadd.s32 $0x50, s1;
	(pc) =	sbr.rel @p0 .LBB2_26-.Ltmp12, $4  }
0x280: {  	[hbm4b:s13+s3] =	stream.linear.scatter [tilespmem:s11], [sflag:$0x6], $0x80, $0x38;
	[tilespmem:$0xDD00] =	vst v63  }
0x281: {  	s11 =	sadd.s32 $0xBE30, s5;
	s13 =	sadd.s32 $0x60, s1;
	s5 =	sadd.s32 $0xBEB8, s5  }
0x282: {  	[hbm4b:s13+s3] =	stream.linear.scatter [tilespmem:s11], [sflag:$0x6], $0x80, $0x38;
	[tilespmem:$0xDD00] =	vst v63  }
0x283: {  	s11 =	sadd.s32 $0x70, s1;
	s1 =	sadd.s32 $0x1000, s1;
	s13 =	smov.u32 s14  }
0x284: {  	[hbm4b:s11+s3] =	stream.linear.scatter [tilespmem:s5], [sflag:$0x6], $0x80, $0x38;
	[tilespmem:$0xDD00] =	vst v63  }
0x285: {  	s18 =	sadd.s32 $0xBB00, s0  }
0x286: {  	[hbm4b:s1+s3] =	stream.linear.scatter [tilespmem:s18], [sflag:$0x6], $0x80, $0x38;
	[tilespmem:$0xDD00] =	vst v63  }
0x287: {  	s30 =	sadd.s32 $0xBB88, s0;
	s31 =	sadd.s32 $0x10, s1  }
0x288: {  	[hbm4b:s31+s3] =	stream.linear.scatter [tilespmem:s30], [sflag:$0x6], $0x80, $0x38;
	[tilespmem:$0xDD00] =	vst v63  }
0x289: {  	s13 =	sadd.s32 $0xBC10, s0;
	s14 =	sadd.s32 $0x20, s1  }
0x28a: {  	[hbm4b:s14+s3] =	stream.linear.scatter [tilespmem:s13], [sflag:$0x6], $0x80, $0x38;
	[tilespmem:$0xDD00] =	vst v63  }
0x28b: {  	s17 =	sadd.s32 $0xBC98, s0;
	s18 =	sadd.s32 $0x30, s1  }
0x28c: {  	[hbm4b:s18+s3] =	stream.linear.scatter [tilespmem:s17], [sflag:$0x6], $0x80, $0x38;
	[tilespmem:$0xDD00] =	vst v63  }
0x28d: {  	s30 =	sadd.s32 $0xBD20, s0;
	s31 =	sadd.s32 $0x40, s1  }
0x28e: {  	[hbm4b:s31+s3] =	stream.linear.scatter [tilespmem:s30], [sflag:$0x6], $0x80, $0x38;
	[tilespmem:$0xDD00] =	vst v63  }
0x28f: {  	s11 =	sadd.s32 $0xBDA8, s0;
	s13 =	sadd.s32 $0x50, s1  }
0x290: {  	[hbm4b:s13+s3] =	stream.linear.scatter [tilespmem:s11], [sflag:$0x6], $0x80, $0x38;
	[tilespmem:$0xDD00] =	vst v63  }
0x291: {  	s14 =	sadd.s32 $0xBE30, s0;
	s17 =	sadd.s32 $0x60, s1  }
0x292: {  	[hbm4b:s17+s3] =	stream.linear.scatter [tilespmem:s14], [sflag:$0x6], $0x80, $0x38;
	[tilespmem:$0xDD00] =	vst v63  }
0x293: {  	s18 =	sadd.s32 $0xBEB8, s0;
	s30 =	sadd.s32 $0x70, s1  }
0x294: {  	[hbm4b:s30+s3] =	stream.linear.scatter [tilespmem:s18], [sflag:$0x6], $0x80, $0x38;
	[tilespmem:$0xDD00] =	vst v63  }
0x295: {  	_ =	swait.ge [sflag:s25], $0x2000  }
0x296: {  	[sflag:s25] =	ssyncset.done $0x0  }
0x297: {  	[sflag:s25] =	ssyncadd.s32 $0xFFFFE000  }
0x298: {  	_ =	swait.ge [sflag:s28], $0x2000  }
0x299: {  	s29 =	sadd.s32 $0x1, s29;
	s31 =	rddreg [dreg:$0x4]  }
0x29a: {  	p0 =	sne.s32 s29, s31  }
.Ltmp13:
0x29b: {  	_ = 	snop;
	(pc) =	sbr.rel @p0 .LBB2_1-.Ltmp13, $3  }
0x29c: {  	_ =	sdelay $0x1  }
0x29d: {  	[sflag:s28] =	ssyncset.done $0x0  }
0x29e: {  	[sflag:s28] =	ssyncadd.s32 $0xFFFFE000  }
0x29f: {  	_ =	sfence.sel $0x180000  }
0x2a0: {  	[bflag:$0x0] =	sbarrier.arrive $0xFFFF  }
0x2a1: {  	_ =	strace $0x90000047  }
0x2a2: {  	s0 =	stileid.u32;
	[bflag:$0x2] =	sbarrier.arrive $0xFFFF  }
0x2a3: {  	p0 =	sne.s32 s0, $0x0;
	s0 =	rddreg [dreg:$0x2]  }
0x2a4: {  	s0 =	sadd.s32 @!p0 $0x100000, s0  }
0x2a5: {  	[sflag:s0] =	ssyncadd.tile.s32 @!p0 $0x1;
	_ =	shalt  }
.Lfunc_end2:
_tile_overlayer_lowered:
.L_overlay_start_2:
0x2a6: {  	(tag) =	ssettag $0x2  }
0x2a7: {  	s0 =	rddreg [dreg:$0x0];
	s2 =	stileid.u32  }
0x2a8: {  	s1 =	rddreg [dreg:$0x1];
	p0 =	sne.s32 s2, $0x0  }
0x2a9: {  	s3 =	rddreg [dreg:$0x2];
	[bflag:$0x3] =	sbarrier.arrive $0xFFFF;
	s2 =	simm.s32 @!p0 $0x1C07  }
0x2aa: {  	[timem:s3], [sflag:s2] =	dma.local @!p0 [hbm:s0], s1  }
0x2ab: {  	s0 =	simm.s32 @!p0 $0x7  }
0x2ac: {  	_ =	swait.ge @!p0 [sflag:s0], s1  }
0x2ad: {  	s1 =	ssub.s32 @!p0 $0x0, s1;
	[sflag:s0] =	ssyncset.done @!p0 $0x0  }
0x2ae: {  	[sflag:s0] =	ssyncadd.s32 @!p0 s1  }
0x2af: {  	[bflag:$0x3] =	sbarrier.arrive $0xFFFF  }
0x2b0: {  	_ =	shalt  }

</sc_bundles>
